<compile_context>
chip_gen: v7x
topology: tpu7x:2x2x1
jax: 0.10.2.dev20260603
libtpu: 0.0.44.dev20260713+nightly
codegen_flags: <defaults>
</compile_context>

<pallas_src>
import functools

import jax
import jax.numpy as jnp
from jax import lax
from jax.experimental import pallas as pl
from jax.experimental.pallas import tpu as pltpu
from jax.experimental.pallas import tpu_sc as plsc

N = 10000
DEG = 32
F = 128
TDIM = 16

NW = 32
NODES_PER_W = 320
NPAD = NW * NODES_PER_W
CH = 8
ROWS = 128
CHUNKS = NODES_PER_W // CH
NBUF = 2




def _sc_gather_sum(x, nbr_flat):
    info = plsc.get_sparse_core_info()
    nc = info.num_cores

    mesh = plsc.VectorSubcoreMesh(core_axis_name="c", subcore_axis_name="s")

    @functools.partial(
        pl.kernel,
        mesh=mesh,
        out_type=jax.ShapeDtypeStruct((NPAD, F), jnp.float32),
        scratch_types=[
            pltpu.VMEM((2 * CHUNKS, ROWS), jnp.int32),
        ] + [pltpu.VMEM((ROWS, F), jnp.float32) for _ in range(2 * NBUF)]
          + [pltpu.VMEM((CH, F), jnp.float32) for _ in range(NBUF)]
          + [pltpu.SemaphoreType.DMA for _ in range(2 * NBUF)],
    )
    def body(x_hbm, nbr_hbm, out_hbm, idx_v, *bufs):
        rows = bufs[:2 * NBUF]
        pools = bufs[2 * NBUF:3 * NBUF]
        sems = bufs[3 * NBUF:4 * NBUF]
        osems = bufs[4 * NBUF:5 * NBUF]
        sid = lax.axis_index("s")
        wid = sid * nc + lax.axis_index("c")
        start_chunk = wid * CHUNKS

        pltpu.sync_copy(nbr_hbm.at[pl.ds(start_chunk * 2, 2 * CHUNKS)], idx_v)

        def descs(chunk_i, slot):
            ci = lax.min(chunk_i, CHUNKS - 1)
            return [
                pltpu.make_async_copy(
                    x_hbm.at[idx_v.at[2 * ci + h]], rows[2 * slot + h],
                    sems[slot])
                for h in range(2)
            ]

        def odesc(chunk_i, slot):
            base = (start_chunk + lax.min(chunk_i, CHUNKS - 1)) * CH
            return pltpu.make_async_copy(
                pools[slot], out_hbm.at[pl.ds(base, CH)], osems[slot])

        for b in range(NBUF):
            for d in descs(b, b):
                d.start()

        def group(ig, carry):
            for b in range(NBUF):
                i = ig * NBUF + b
                for d in descs(i, b):
                    d.wait()
                pb = pools[b]
                @pl.when(ig > 0)
                def _():
                    odesc(i - NBUF, b).wait()
                for h in range(2):
                    rb = rows[2 * b + h]

                    def red(gi, carry2, rb=rb, h=h):
                        c = gi // (F // 16)
                        col = gi % (F // 16)
                        sl = pl.ds(col * 16, 16)
                        base = c * DEG
                        a0 = rb[base + 0, sl]
                        a1 = rb[base + 1, sl]
                        for d in range(2, DEG, 2):
                            a0 = a0 + rb[base + d, sl]
                            a1 = a1 + rb[base + d + 1, sl]
                        pb[4 * h + c, sl] = a0 + a1
                        return carry2

                    lax.fori_loop(0, (CH // 2) * (F // 16), red, 0)
                odesc(i, b).start()
                for d in descs(i + NBUF, b):
                    d.start()
            return carry

        lax.fori_loop(0, CHUNKS // NBUF, group, 0)
        for b in range(NBUF):
            for d in descs(CHUNKS + b, b):
                d.wait()
            odesc(CHUNKS - NBUF + b, b).wait()

    return body(x, nbr_flat)


BLK = 512
_PREC = lax.Precision.HIGHEST


def _tc_time_body(scal_ref, tt_ref, Tv_ref, ht_ref):
    tt = tt_ref[...]
    w0 = scal_ref[0, 0]
    b0 = scal_ref[0, 1]
    zrows = [jnp.sum(tt, axis=0, keepdims=True) * w0 + (DEG * b0)]
    for j in range(TDIM - 1):
        wt = scal_ref[0, 2 + j]
        bt = scal_ref[0, 2 + (TDIM - 1) + j]
        zrows.append(jnp.sum(jnp.sin(tt * wt + bt), axis=0, keepdims=True))
    Z = jnp.concatenate(zrows, axis=0)
    ht_ref[...] = lax.dot_general(
        Z, Tv_ref[...], (((0,), (0,)), ((), ())),
        precision=_PREC, preferred_element_type=jnp.float32)


def _tc_time(scal, times_t, Tv):
    grid = (pl.cdiv(N, BLK),)
    return pl.pallas_call(
        _tc_time_body,
        grid=grid,
        in_specs=[
            pl.BlockSpec(memory_space=pltpu.SMEM),
            pl.BlockSpec((DEG, BLK), lambda i: (0, i)),
            pl.BlockSpec((TDIM, F), lambda i: (0, 0)),
        ],
        out_specs=pl.BlockSpec((BLK, F), lambda i: (i, 0)),
        out_shape=jax.ShapeDtypeStruct((N, F), jnp.float32),
    )(scal, times_t, Tv)


def _tc_mlp_body(x_ref, g_ref, ht_ref, Wv_ref, W1a_ref, W1b_ref, W2_ref,
                 b1_ref, b2_ref, o_ref):
    h = jnp.dot(g_ref[...], Wv_ref[...], precision=_PREC,
                preferred_element_type=jnp.float32) + ht_ref[...]
    pre = (jnp.dot(x_ref[...], W1a_ref[...], precision=_PREC,
                   preferred_element_type=jnp.float32)
           + jnp.dot(h, W1b_ref[...], precision=_PREC,
                     preferred_element_type=jnp.float32)
           + b1_ref[...])
    o_ref[...] = (jnp.dot(jnp.maximum(pre, 0.0), W2_ref[...], precision=_PREC,
                          preferred_element_type=jnp.float32) + b2_ref[...])


def _tc_mlp(x, g, ht, Wv, W1a, W1b, W2, b1eff, b2r):
    grid = (pl.cdiv(N, BLK),)
    full = lambda shape: pl.BlockSpec(shape, lambda i: (0, 0))
    return pl.pallas_call(
        _tc_mlp_body,
        grid=grid,
        in_specs=[
            pl.BlockSpec((BLK, F), lambda i: (i, 0)),
            pl.BlockSpec((BLK, F), lambda i: (i, 0)),
            pl.BlockSpec((BLK, F), lambda i: (i, 0)),
            full((F, F)),
            full((F, F)),
            full((F, F)),
            full((F, F)),
            full((1, F)),
            full((1, F)),
        ],
        out_specs=pl.BlockSpec((BLK, F), lambda i: (i, 0)),
        out_shape=jax.ShapeDtypeStruct((N, F), jnp.float32),
    )(x, g, ht, Wv, W1a, W1b, W2, b1eff, b2r)


def kernel(x, neighbors, times, t, Wk, bk, Wq, bq, Wv, bv, w0, b0, Wt, Bt,
           Tk, btk, Tq, btq, Tv, btv, W1, b1, W2, b2):
    nbr = neighbors.astype(jnp.int32).reshape(-1)
    nbr_flat = jnp.pad(nbr, (0, (NPAD - N) * DEG)).reshape(NPAD * DEG // ROWS, ROWS)
    g = _sc_gather_sum(x, nbr_flat)

    times_t = jnp.pad(times.T, ((0, 0), (0, BLK * pl.cdiv(N, BLK) - N)))
    scal = jnp.concatenate(
        [w0.reshape(1), b0.reshape(1), Wt.reshape(TDIM - 1), Bt.reshape(TDIM - 1)]
    ).reshape(1, 2 * TDIM)
    W1a = W1[:F]
    W1b = W1[F:]
    b1eff = (b1 + (DEG * (bv + btv)) @ W1b).reshape(1, F)
    ht = _tc_time(scal, times_t, Tv)
    return _tc_mlp(x, g, ht, Wv, W1a, W1b, W2, b1eff, b2.reshape(1, F))

# --- scband reference (transcript-rebuilt; emitter-appended) ---
"""Pipeline reference for scband-tgat-layer-65171833749893 (READ-ONLY COPY).

The authoritative reference and input builder live on the scoring server;
editing this copy changes nothing except your own understanding.
"""

import jax, jax.numpy as jnp
import numpy as np
import math

N = 10000
DEG = 32
IN_FEATS = 128
HIDDEN = 128
OUT_FEATS = 128
HEADS = 8
HEAD_DIM = HIDDEN // HEADS
TDIM = 16


def setup_inputs(seed: int = 0):
    key = jax.random.key(seed)
    ks = jax.random.split(key, 24)
    s = 0.05
    inp = {}
    inp['x'] = jax.random.normal(ks[0], (N, IN_FEATS), jnp.float32)
    inp['neighbors'] = jax.random.randint(ks[1], (N, DEG), 0, N, dtype=jnp.int32).astype(jnp.int64)
    inp['times'] = jax.random.uniform(ks[2], (N, DEG), jnp.float32)
    inp['t'] = 1
    # KQV projections for node features
    inp['Wk'] = jax.random.normal(ks[3], (IN_FEATS, HIDDEN), jnp.float32) * s
    inp['bk'] = jnp.zeros((HIDDEN,), jnp.float32)
    inp['Wq'] = jax.random.normal(ks[4], (IN_FEATS, HIDDEN), jnp.float32) * s
    inp['bq'] = jnp.zeros((HIDDEN,), jnp.float32)
    inp['Wv'] = jax.random.normal(ks[5], (IN_FEATS, HIDDEN), jnp.float32) * s
    inp['bv'] = jnp.zeros((HIDDEN,), jnp.float32)
    # time2vec kernel params (dim=TDIM: 1 linear + TDIM-1 periodic)
    inp['w0'] = jax.random.normal(ks[6], (1, 1), jnp.float32) * s
    inp['b0'] = jnp.zeros((1,), jnp.float32)
    inp['Wt'] = jax.random.normal(ks[7], (1, TDIM - 1), jnp.float32)
    inp['Bt'] = jnp.zeros((TDIM - 1,), jnp.float32)
    # KQV projections for time encodings
    inp['Tk'] = jax.random.normal(ks[8], (TDIM, HIDDEN), jnp.float32) * s
    inp['btk'] = jnp.zeros((HIDDEN,), jnp.float32)
    inp['Tq'] = jax.random.normal(ks[9], (TDIM, HIDDEN), jnp.float32) * s
    inp['btq'] = jnp.zeros((HIDDEN,), jnp.float32)
    inp['Tv'] = jax.random.normal(ks[10], (TDIM, HIDDEN), jnp.float32) * s
    inp['btv'] = jnp.zeros((HIDDEN,), jnp.float32)
    # output MLP
    inp['W1'] = jax.random.normal(ks[11], (HIDDEN + IN_FEATS, HIDDEN), jnp.float32) * s
    inp['b1'] = jnp.zeros((HIDDEN,), jnp.float32)
    inp['W2'] = jax.random.normal(ks[12], (HIDDEN, OUT_FEATS), jnp.float32) * s
    inp['b2'] = jnp.zeros((OUT_FEATS,), jnp.float32)
    return inp


def reference(x, neighbors, times, t, Wk, bk, Wq, bq, Wv, bv, w0, b0, Wt, Bt, Tk, btk, Tq, btq, Tv, btv, W1, b1, W2, b2):
    tf = jnp.asarray(t, jnp.float32)
    norm = math.sqrt(1.0 / HEAD_DIM)
    k_ = x @ Wk + bk
    q_ = x @ Wq + bq
    v_ = x @ Wv + bv

    def node_fn(qrow, nbrs, tms):
        # t_input = cat([[t]], times) -> (DEG+1, 1); all times <= t so mask is all-true
        t_in = jnp.concatenate([jnp.reshape(tf, (1, 1)), tms[:, None]], axis=0)
        z = jnp.concatenate([t_in @ w0 + b0, jnp.sin(t_in @ Wt + Bt)], axis=-1)
        t_k = z @ Tk + btk
        t_q = z @ Tq + btq
        t_v = z @ Tv + btv
        q = qrow + t_q[0]
        k = jnp.take(k_, nbrs, axis=0) + t_k[1:]
        v = jnp.take(v_, nbrs, axis=0) + t_v[1:]
        qh = q.reshape(1, HEADS, HEAD_DIM).transpose(1, 0, 2)   # (H, 1, hd)
        kh = k.reshape(DEG, HEADS, HEAD_DIM).transpose(1, 2, 0)  # (H, hd, DEG)
        vh = v.reshape(DEG, HEADS, HEAD_DIM).transpose(1, 0, 2)  # (H, DEG, hd)
        # faithful to torch.softmax(..., dim=1) on shape (H, 1, DEG)
        attn = jax.nn.softmax(qh @ kh * norm, axis=1)
        return (attn @ vh).reshape(HIDDEN)

    h = jax.vmap(node_fn)(q_, neighbors, times)
    xc = jnp.concatenate([x, h], axis=1)
    return jax.nn.relu(xc @ W1 + b1) @ W2 + b2

if __name__ == "__main__":
    import jax
    _d = setup_inputs()
    print(jax.jit(kernel)(*tuple(_d.values())))

</pallas_src>

<mosaic_0001>
#map = affine_map<(d0, d1) -> (0, 0)>
module attributes {stable_mosaic.version = 14 : i64} {
  func.func @body(%arg0: i32, %arg1: i32, %arg2: memref<10000x128xf32, #tpu.memory_space<hbm>>, %arg3: memref<2560x128xi32, #tpu.memory_space<hbm>>, %arg4: memref<10240x128xf32, #tpu.memory_space<hbm>>, %arg5: memref<80x128xi32, #tpu.memory_space<vmem>>, %arg6: memref<128x128xf32, #tpu.memory_space<vmem>>, %arg7: memref<128x128xf32, #tpu.memory_space<vmem>>, %arg8: memref<128x128xf32, #tpu.memory_space<vmem>>, %arg9: memref<128x128xf32, #tpu.memory_space<vmem>>, %arg10: memref<8x128xf32, #tpu.memory_space<vmem>>, %arg11: memref<8x128xf32, #tpu.memory_space<vmem>>, %arg12: memref<!tpu.dma_semaphore, #tpu.memory_space<semaphore_mem>>, %arg13: memref<!tpu.dma_semaphore, #tpu.memory_space<semaphore_mem>>, %arg14: memref<!tpu.dma_semaphore, #tpu.memory_space<semaphore_mem>>, %arg15: memref<!tpu.dma_semaphore, #tpu.memory_space<semaphore_mem>>) attributes {dimension_semantics = [#tpu.dimension_semantics<core_parallel>, #tpu.dimension_semantics<subcore_parallel>], iteration_bounds = array<i64: 2, 16>, scalar_prefetch = 0 : i64, scratch_operands = 11 : i64, tpu.core_type = #tpu.core_type<sc_vector_subcore>, window_params = [{transform_indices = #map}, {transform_indices = #map}, {transform_indices = #map}]} {
    %mul3A = arith.constant 2 : i32
    %mul3A_0 = arith.muli %arg1, %mul3A : i32
    %add3A = arith.addi %mul3A_0, %arg0 : i32
    %mul3A_1 = arith.constant 40 : i32
    %mul3A_2 = arith.muli %add3A, %mul3A_1 : i32
    %mul3A_3 = arith.constant 2 : i32
    %mul3A_4 = arith.muli %mul3A_2, %mul3A_3 : i32
    "tpu.region"() ({
      %run_scoped3A = tpu.sem_alloc : memref<!tpu.dma_semaphore, #tpu.memory_space<semaphore_mem>>
      %dma_start3A_119 = arith.constant 0 : i32
      %dma_start3A_120 = tpu.memref_slice %arg3[%mul3A_4, %dma_start3A_119] : memref<2560x128xi32, #tpu.memory_space<hbm>> -> memref<80x128xi32, #tpu.memory_space<hbm>>
      %dma_start3A_121 = arith.constant 0 : i32
      %dma_start3A_122 = tpu.memref_slice %arg3[%mul3A_4, %dma_start3A_121] : memref<2560x128xi32, #tpu.memory_space<hbm>> -> memref<80x128xi32, #tpu.memory_space<hbm>>
      tpu.enqueue_dma source(%dma_start3A_122 : memref<80x128xi32, #tpu.memory_space<hbm>>) target(%arg5 : memref<80x128xi32, #tpu.memory_space<vmem>>) target_semaphore(%run_scoped3A : memref<!tpu.dma_semaphore, #tpu.memory_space<semaphore_mem>>)
      %dma_wait3A_123 = arith.constant 0 : i32
      %dma_wait3A_124 = tpu.memref_slice %arg3[%mul3A_4, %dma_wait3A_123] : memref<2560x128xi32, #tpu.memory_space<hbm>> -> memref<80x128xi32, #tpu.memory_space<hbm>>
      %dma_wait3A_125 = arith.constant 0 : i32
      %dma_wait3A_126 = tpu.memref_slice %arg3[%mul3A_4, %dma_wait3A_125] : memref<2560x128xi32, #tpu.memory_space<hbm>> -> memref<80x128xi32, #tpu.memory_space<hbm>>
      tpu.wait_dma2 semaphore(%run_scoped3A : memref<!tpu.dma_semaphore, #tpu.memory_space<semaphore_mem>>) src(%dma_wait3A_126 : memref<80x128xi32, #tpu.memory_space<hbm>>) dst(%arg5 : memref<80x128xi32, #tpu.memory_space<vmem>>)
      tpu.yield
    }) : () -> ()
    %min3A = arith.constant 0 : i32
    %min3A_5 = arith.constant 39 : i32
    %min3A_6 = arith.minsi %min3A, %min3A_5 : i32
    %mul3A_7 = arith.constant 2 : i32
    %mul3A_8 = arith.muli %mul3A_7, %min3A_6 : i32
    %add3A_9 = arith.constant 0 : i32
    %add3A_10 = arith.addi %mul3A_8, %add3A_9 : i32
    %mul3A_11 = arith.constant 2 : i32
    %mul3A_12 = arith.muli %mul3A_11, %min3A_6 : i32
    %add3A_13 = arith.constant 1 : i32
    %add3A_14 = arith.addi %mul3A_12, %add3A_13 : i32
    %dma_start3A = arith.constant 0 : i32
    %dma_start3A_15 = tpu.memref_slice %arg5[%add3A_10, %dma_start3A] : memref<80x128xi32, #tpu.memory_space<vmem>> -> memref<1x128xi32, #tpu.memory_space<vmem>>
    %dma_start3A_16 = tpu.memref_squeeze %dma_start3A_15 : memref<1x128xi32, #tpu.memory_space<vmem>> -> memref<128xi32, #tpu.memory_space<vmem>>
    %dma_start3A_17 = arith.constant 0 : i32
    %dma_start3A_18 = arith.constant 0 : i32
    %dma_start3A_19 = tpu.memref_slice %arg2[%dma_start3A_17, %dma_start3A_18] : memref<10000x128xf32, #tpu.memory_space<hbm>> -> memref<10000x128xf32, #tpu.memory_space<hbm>>
    tpu.enqueue_indirect_dma source(%dma_start3A_19 : memref<10000x128xf32, #tpu.memory_space<hbm>>) target(%arg6 : memref<128x128xf32, #tpu.memory_space<vmem>>) offsets(%dma_start3A_16 : memref<128xi32, #tpu.memory_space<vmem>>) semaphore(%arg12 : memref<!tpu.dma_semaphore, #tpu.memory_space<semaphore_mem>>)
    %dma_start3A_20 = arith.constant 0 : i32
    %dma_start3A_21 = tpu.memref_slice %arg5[%add3A_14, %dma_start3A_20] : memref<80x128xi32, #tpu.memory_space<vmem>> -> memref<1x128xi32, #tpu.memory_space<vmem>>
    %dma_start3A_22 = tpu.memref_squeeze %dma_start3A_21 : memref<1x128xi32, #tpu.memory_space<vmem>> -> memref<128xi32, #tpu.memory_space<vmem>>
    %dma_start3A_23 = arith.constant 0 : i32
    %dma_start3A_24 = arith.constant 0 : i32
    %dma_start3A_25 = tpu.memref_slice %arg2[%dma_start3A_23, %dma_start3A_24] : memref<10000x128xf32, #tpu.memory_space<hbm>> -> memref<10000x128xf32, #tpu.memory_space<hbm>>
    tpu.enqueue_indirect_dma source(%dma_start3A_25 : memref<10000x128xf32, #tpu.memory_space<hbm>>) target(%arg7 : memref<128x128xf32, #tpu.memory_space<vmem>>) offsets(%dma_start3A_22 : memref<128xi32, #tpu.memory_space<vmem>>) semaphore(%arg12 : memref<!tpu.dma_semaphore, #tpu.memory_space<semaphore_mem>>)
    %min3A_26 = arith.constant 1 : i32
    %min3A_27 = arith.constant 39 : i32
    %min3A_28 = arith.minsi %min3A_26, %min3A_27 : i32
    %mul3A_29 = arith.constant 2 : i32
    %mul3A_30 = arith.muli %mul3A_29, %min3A_28 : i32
    %add3A_31 = arith.constant 0 : i32
    %add3A_32 = arith.addi %mul3A_30, %add3A_31 : i32
    %mul3A_33 = arith.constant 2 : i32
    %mul3A_34 = arith.muli %mul3A_33, %min3A_28 : i32
    %add3A_35 = arith.constant 1 : i32
    %add3A_36 = arith.addi %mul3A_34, %add3A_35 : i32
    %dma_start3A_37 = arith.constant 0 : i32
    %dma_start3A_38 = tpu.memref_slice %arg5[%add3A_32, %dma_start3A_37] : memref<80x128xi32, #tpu.memory_space<vmem>> -> memref<1x128xi32, #tpu.memory_space<vmem>>
    %dma_start3A_39 = tpu.memref_squeeze %dma_start3A_38 : memref<1x128xi32, #tpu.memory_space<vmem>> -> memref<128xi32, #tpu.memory_space<vmem>>
    %dma_start3A_40 = arith.constant 0 : i32
    %dma_start3A_41 = arith.constant 0 : i32
    %dma_start3A_42 = tpu.memref_slice %arg2[%dma_start3A_40, %dma_start3A_41] : memref<10000x128xf32, #tpu.memory_space<hbm>> -> memref<10000x128xf32, #tpu.memory_space<hbm>>
    tpu.enqueue_indirect_dma source(%dma_start3A_42 : memref<10000x128xf32, #tpu.memory_space<hbm>>) target(%arg8 : memref<128x128xf32, #tpu.memory_space<vmem>>) offsets(%dma_start3A_39 : memref<128xi32, #tpu.memory_space<vmem>>) semaphore(%arg13 : memref<!tpu.dma_semaphore, #tpu.memory_space<semaphore_mem>>)
    %dma_start3A_43 = arith.constant 0 : i32
    %dma_start3A_44 = tpu.memref_slice %arg5[%add3A_36, %dma_start3A_43] : memref<80x128xi32, #tpu.memory_space<vmem>> -> memref<1x128xi32, #tpu.memory_space<vmem>>
    %dma_start3A_45 = tpu.memref_squeeze %dma_start3A_44 : memref<1x128xi32, #tpu.memory_space<vmem>> -> memref<128xi32, #tpu.memory_space<vmem>>
    %dma_start3A_46 = arith.constant 0 : i32
    %dma_start3A_47 = arith.constant 0 : i32
    %dma_start3A_48 = tpu.memref_slice %arg2[%dma_start3A_46, %dma_start3A_47] : memref<10000x128xf32, #tpu.memory_space<hbm>> -> memref<10000x128xf32, #tpu.memory_space<hbm>>
    tpu.enqueue_indirect_dma source(%dma_start3A_48 : memref<10000x128xf32, #tpu.memory_space<hbm>>) target(%arg9 : memref<128x128xf32, #tpu.memory_space<vmem>>) offsets(%dma_start3A_45 : memref<128xi32, #tpu.memory_space<vmem>>) semaphore(%arg13 : memref<!tpu.dma_semaphore, #tpu.memory_space<semaphore_mem>>)
    %scan3A = arith.constant 0 : i32
    %scan3A_49 = arith.constant 0 : i32
    %scan3A_50 = arith.constant 20 : i32
    %scan3A_51 = arith.addi %scan3A_49, %scan3A_50 : i32
    %scan3A_52 = arith.constant 1 : i32
    scf.for %scan3A_119 = %scan3A_49 to %scan3A_51 step %scan3A_52  : i32 {
      %mul3A_120 = arith.constant 2 : i32
      %mul3A_121 = arith.muli %scan3A_119, %mul3A_120 : i32
      %add3A_122 = arith.constant 0 : i32
      %add3A_123 = arith.addi %mul3A_121, %add3A_122 : i32
      %min3A_124 = arith.constant 39 : i32
      %min3A_125 = arith.minsi %add3A_123, %min3A_124 : i32
      %mul3A_126 = arith.constant 2 : i32
      %mul3A_127 = arith.muli %mul3A_126, %min3A_125 : i32
      %add3A_128 = arith.constant 0 : i32
      %add3A_129 = arith.addi %mul3A_127, %add3A_128 : i32
      %mul3A_130 = arith.constant 2 : i32
      %mul3A_131 = arith.muli %mul3A_130, %min3A_125 : i32
      %add3A_132 = arith.constant 1 : i32
      %add3A_133 = arith.addi %mul3A_131, %add3A_132 : i32
      %dma_wait3A_134 = arith.constant 0 : i32
      %dma_wait3A_135 = tpu.memref_slice %arg5[%add3A_129, %dma_wait3A_134] : memref<80x128xi32, #tpu.memory_space<vmem>> -> memref<1x128xi32, #tpu.memory_space<vmem>>
      %dma_wait3A_136 = tpu.memref_squeeze %dma_wait3A_135 : memref<1x128xi32, #tpu.memory_space<vmem>> -> memref<128xi32, #tpu.memory_space<vmem>>
      %dma_wait3A_137 = arith.constant 0 : i32
      %dma_wait3A_138 = arith.constant 0 : i32
      %dma_wait3A_139 = tpu.memref_slice %arg2[%dma_wait3A_137, %dma_wait3A_138] : memref<10000x128xf32, #tpu.memory_space<hbm>> -> memref<10000x128xf32, #tpu.memory_space<hbm>>
      tpu.wait_indirect_dma semaphore(%arg12 : memref<!tpu.dma_semaphore, #tpu.memory_space<semaphore_mem>>) src(%dma_wait3A_139 : memref<10000x128xf32, #tpu.memory_space<hbm>>) dst(%arg6 : memref<128x128xf32, #tpu.memory_space<vmem>>)
      %dma_wait3A_140 = arith.constant 0 : i32
      %dma_wait3A_141 = tpu.memref_slice %arg5[%add3A_133, %dma_wait3A_140] : memref<80x128xi32, #tpu.memory_space<vmem>> -> memref<1x128xi32, #tpu.memory_space<vmem>>
      %dma_wait3A_142 = tpu.memref_squeeze %dma_wait3A_141 : memref<1x128xi32, #tpu.memory_space<vmem>> -> memref<128xi32, #tpu.memory_space<vmem>>
      %dma_wait3A_143 = arith.constant 0 : i32
      %dma_wait3A_144 = arith.constant 0 : i32
      %dma_wait3A_145 = tpu.memref_slice %arg2[%dma_wait3A_143, %dma_wait3A_144] : memref<10000x128xf32, #tpu.memory_space<hbm>> -> memref<10000x128xf32, #tpu.memory_space<hbm>>
      tpu.wait_indirect_dma semaphore(%arg12 : memref<!tpu.dma_semaphore, #tpu.memory_space<semaphore_mem>>) src(%dma_wait3A_145 : memref<10000x128xf32, #tpu.memory_space<hbm>>) dst(%arg7 : memref<128x128xf32, #tpu.memory_space<vmem>>)
      %gt3A = arith.constant 0 : i32
      %gt3A_146 = arith.cmpi sgt, %scan3A_119, %gt3A : i32
      %convert_element_type3A = arith.extui %gt3A_146 : i1 to i32
      %cond3A = arith.constant 0 : i32
      %cond3A_147 = arith.cmpi ne, %convert_element_type3A, %cond3A : i32
      scf.if %cond3A_147 {
        %sub3A = arith.constant 2 : i32
        %sub3A_269 = arith.subi %add3A_123, %sub3A : i32
        %min3A_270 = arith.constant 39 : i32
        %min3A_271 = arith.minsi %sub3A_269, %min3A_270 : i32
        %add3A_272 = arith.addi %mul3A_2, %min3A_271 : i32
        %mul3A_273 = arith.constant 8 : i32
        %mul3A_274 = arith.muli %add3A_272, %mul3A_273 : i32
        %dma_wait3A_275 = arith.constant 0 : i32
        %dma_wait3A_276 = tpu.memref_slice %arg4[%mul3A_274, %dma_wait3A_275] : memref<10240x128xf32, #tpu.memory_space<hbm>> -> memref<8x128xf32, #tpu.memory_space<hbm>>
        %dma_wait3A_277 = arith.constant 0 : i32
        %dma_wait3A_278 = tpu.memref_slice %arg4[%mul3A_274, %dma_wait3A_277] : memref<10240x128xf32, #tpu.memory_space<hbm>> -> memref<8x128xf32, #tpu.memory_space<hbm>>
        tpu.wait_dma2 semaphore(%arg14 : memref<!tpu.dma_semaphore, #tpu.memory_space<semaphore_mem>>) src(%arg10 : memref<8x128xf32, #tpu.memory_space<vmem>>) dst(%dma_wait3A_278 : memref<8x128xf32, #tpu.memory_space<hbm>>)
      } else {
      }
      %scan3A_148 = arith.constant 0 : i32
      %scan3A_149 = arith.constant 0 : i32
      %scan3A_150 = arith.constant 32 : i32
      %scan3A_151 = arith.addi %scan3A_149, %scan3A_150 : i32
      %scan3A_152 = arith.constant 1 : i32
      scf.for %scan3A_269 = %scan3A_149 to %scan3A_151 step %scan3A_152  : i32 {
        %jit3A = arith.constant 8 : i32
        %div3A = arith.divsi %scan3A_269, %jit3A : i32
        %sign3A = arith.constant 0 : i32
        %sign3A_270 = arith.cmpi sgt, %scan3A_269, %sign3A : i32
        %sign3A_271 = arith.extui %sign3A_270 : i1 to i32
        %sign3A_272 = arith.constant 0 : i32
        %sign3A_273 = arith.cmpi slt, %scan3A_269, %sign3A_272 : i32
        %sign3A_274 = arith.extui %sign3A_273 : i1 to i32
        %sign3A_275 = arith.subi %sign3A_271, %sign3A_274 : i32
        %sign3A_276 = arith.constant 0 : i32
        %sign3A_277 = arith.cmpi sgt, %jit3A, %sign3A_276 : i32
        %sign3A_278 = arith.extui %sign3A_277 : i1 to i32
        %sign3A_279 = arith.constant 0 : i32
        %sign3A_280 = arith.cmpi slt, %jit3A, %sign3A_279 : i32
        %sign3A_281 = arith.extui %sign3A_280 : i1 to i32
        %sign3A_282 = arith.subi %sign3A_278, %sign3A_281 : i32
        %ne3A = arith.cmpi ne, %sign3A_275, %sign3A_282 : i32
        %rem3A = arith.remsi %scan3A_269, %jit3A : i32
        %ne3A_283 = arith.constant 0 : i32
        %ne3A_284 = arith.cmpi ne, %rem3A, %ne3A_283 : i32
        %and3A = arith.andi %ne3A, %ne3A_284 : i1
        %sub3A = arith.constant 1 : i32
        %sub3A_285 = arith.subi %div3A, %sub3A : i32
        %select_n3A = arith.select %and3A, %sub3A_285, %div3A : i32
        %jit3A_286 = arith.constant 8 : i32
        %eq3A = arith.constant 0 : i32
        %eq3A_287 = arith.cmpi eq, %jit3A_286, %eq3A : i32
        %jit3A_288 = arith.constant 1 : i32
        %select_n3A_289 = arith.select %eq3A_287, %jit3A_288, %jit3A_286 : i32
        %rem3A_290 = arith.remsi %scan3A_269, %select_n3A_289 : i32
        %ne3A_291 = arith.constant 0 : i32
        %ne3A_292 = arith.cmpi ne, %rem3A_290, %ne3A_291 : i32
        %lt3A = arith.constant 0 : i32
        %lt3A_293 = arith.cmpi slt, %rem3A_290, %lt3A : i32
        %lt3A_294 = arith.constant 0 : i32
        %lt3A_295 = arith.cmpi slt, %select_n3A_289, %lt3A_294 : i32
        %ne3A_296 = arith.xori %lt3A_293, %lt3A_295 : i1
        %and3A_297 = arith.andi %ne3A_296, %ne3A_292 : i1
        %add3A_298 = arith.addi %rem3A_290, %select_n3A_289 : i32
        %select_n3A_299 = arith.select %and3A_297, %add3A_298, %rem3A_290 : i32
        %mul3A_300 = arith.constant 16 : i32
        %mul3A_301 = arith.muli %select_n3A_299, %mul3A_300 : i32
        %mul3A_302 = arith.constant 32 : i32
        %mul3A_303 = arith.muli %select_n3A, %mul3A_302 : i32
        %add3A_304 = arith.constant 0 : i32
        %add3A_305 = arith.addi %mul3A_303, %add3A_304 : i32
        %get3A = arith.index_cast %add3A_305 : i32 to index
        %get3A_306 = arith.index_cast %mul3A_301 : i32 to index
        %get3A_307 = tpu.vector_load %arg6[%get3A, %get3A_306] {strides = array<i32>} : memref<128x128xf32, #tpu.memory_space<vmem>>, vector<1x16xf32>,
        %get3A_308 = vector.shape_cast %get3A_307 : vector<1x16xf32> to vector<16xf32>
        %add3A_309 = arith.constant 1 : i32
        %add3A_310 = arith.addi %mul3A_303, %add3A_309 : i32
        %get3A_311 = arith.index_cast %add3A_310 : i32 to index
        %get3A_312 = arith.index_cast %mul3A_301 : i32 to index
        %get3A_313 = tpu.vector_load %arg6[%get3A_311, %get3A_312] {strides = array<i32>} : memref<128x128xf32, #tpu.memory_space<vmem>>, vector<1x16xf32>,
        %get3A_314 = vector.shape_cast %get3A_313 : vector<1x16xf32> to vector<16xf32>
        %add3A_315 = arith.constant 2 : i32
        %add3A_316 = arith.addi %mul3A_303, %add3A_315 : i32
        %get3A_317 = arith.index_cast %add3A_316 : i32 to index
        %get3A_318 = arith.index_cast %mul3A_301 : i32 to index
        %get3A_319 = tpu.vector_load %arg6[%get3A_317, %get3A_318] {strides = array<i32>} : memref<128x128xf32, #tpu.memory_space<vmem>>, vector<1x16xf32>,
        %get3A_320 = vector.shape_cast %get3A_319 : vector<1x16xf32> to vector<16xf32>
        %add3A_321 = arith.addf %get3A_308, %get3A_320 : vector<16xf32>
        %add3A_322 = arith.constant 2 : i32
        %add3A_323 = arith.addi %mul3A_303, %add3A_322 : i32
        %add3A_324 = arith.constant 1 : i32
        %add3A_325 = arith.addi %add3A_323, %add3A_324 : i32
        %get3A_326 = arith.index_cast %add3A_325 : i32 to index
        %get3A_327 = arith.index_cast %mul3A_301 : i32 to index
        %get3A_328 = tpu.vector_load %arg6[%get3A_326, %get3A_327] {strides = array<i32>} : memref<128x128xf32, #tpu.memory_space<vmem>>, vector<1x16xf32>,
        %get3A_329 = vector.shape_cast %get3A_328 : vector<1x16xf32> to vector<16xf32>
        %add3A_330 = arith.addf %get3A_314, %get3A_329 : vector<16xf32>
        %add3A_331 = arith.constant 4 : i32
        %add3A_332 = arith.addi %mul3A_303, %add3A_331 : i32
        %get3A_333 = arith.index_cast %add3A_332 : i32 to index
        %get3A_334 = arith.index_cast %mul3A_301 : i32 to index
        %get3A_335 = tpu.vector_load %arg6[%get3A_333, %get3A_334] {strides = array<i32>} : memref<128x128xf32, #tpu.memory_space<vmem>>, vector<1x16xf32>,
        %get3A_336 = vector.shape_cast %get3A_335 : vector<1x16xf32> to vector<16xf32>
        %add3A_337 = arith.addf %add3A_321, %get3A_336 : vector<16xf32>
        %add3A_338 = arith.constant 4 : i32
        %add3A_339 = arith.addi %mul3A_303, %add3A_338 : i32
        %add3A_340 = arith.constant 1 : i32
        %add3A_341 = arith.addi %add3A_339, %add3A_340 : i32
        %get3A_342 = arith.index_cast %add3A_341 : i32 to index
        %get3A_343 = arith.index_cast %mul3A_301 : i32 to index
        %get3A_344 = tpu.vector_load %arg6[%get3A_342, %get3A_343] {strides = array<i32>} : memref<128x128xf32, #tpu.memory_space<vmem>>, vector<1x16xf32>,
        %get3A_345 = vector.shape_cast %get3A_344 : vector<1x16xf32> to vector<16xf32>
        %add3A_346 = arith.addf %add3A_330, %get3A_345 : vector<16xf32>
        %add3A_347 = arith.constant 6 : i32
        %add3A_348 = arith.addi %mul3A_303, %add3A_347 : i32
        %get3A_349 = arith.index_cast %add3A_348 : i32 to index
        %get3A_350 = arith.index_cast %mul3A_301 : i32 to index
        %get3A_351 = tpu.vector_load %arg6[%get3A_349, %get3A_350] {strides = array<i32>} : memref<128x128xf32, #tpu.memory_space<vmem>>, vector<1x16xf32>,
        %get3A_352 = vector.shape_cast %get3A_351 : vector<1x16xf32> to vector<16xf32>
        %add3A_353 = arith.addf %add3A_337, %get3A_352 : vector<16xf32>
        %add3A_354 = arith.constant 6 : i32
        %add3A_355 = arith.addi %mul3A_303, %add3A_354 : i32
        %add3A_356 = arith.constant 1 : i32
        %add3A_357 = arith.addi %add3A_355, %add3A_356 : i32
        %get3A_358 = arith.index_cast %add3A_357 : i32 to index
        %get3A_359 = arith.index_cast %mul3A_301 : i32 to index
        %get3A_360 = tpu.vector_load %arg6[%get3A_358, %get3A_359] {strides = array<i32>} : memref<128x128xf32, #tpu.memory_space<vmem>>, vector<1x16xf32>,
        %get3A_361 = vector.shape_cast %get3A_360 : vector<1x16xf32> to vector<16xf32>
        %add3A_362 = arith.addf %add3A_346, %get3A_361 : vector<16xf32>
        %add3A_363 = arith.constant 8 : i32
        %add3A_364 = arith.addi %mul3A_303, %add3A_363 : i32
        %get3A_365 = arith.index_cast %add3A_364 : i32 to index
        %get3A_366 = arith.index_cast %mul3A_301 : i32 to index
        %get3A_367 = tpu.vector_load %arg6[%get3A_365, %get3A_366] {strides = array<i32>} : memref<128x128xf32, #tpu.memory_space<vmem>>, vector<1x16xf32>,
        %get3A_368 = vector.shape_cast %get3A_367 : vector<1x16xf32> to vector<16xf32>
        %add3A_369 = arith.addf %add3A_353, %get3A_368 : vector<16xf32>
        %add3A_370 = arith.constant 8 : i32
        %add3A_371 = arith.addi %mul3A_303, %add3A_370 : i32
        %add3A_372 = arith.constant 1 : i32
        %add3A_373 = arith.addi %add3A_371, %add3A_372 : i32
        %get3A_374 = arith.index_cast %add3A_373 : i32 to index
        %get3A_375 = arith.index_cast %mul3A_301 : i32 to index
        %get3A_376 = tpu.vector_load %arg6[%get3A_374, %get3A_375] {strides = array<i32>} : memref<128x128xf32, #tpu.memory_space<vmem>>, vector<1x16xf32>,
        %get3A_377 = vector.shape_cast %get3A_376 : vector<1x16xf32> to vector<16xf32>
        %add3A_378 = arith.addf %add3A_362, %get3A_377 : vector<16xf32>
        %add3A_379 = arith.constant 10 : i32
        %add3A_380 = arith.addi %mul3A_303, %add3A_379 : i32
        %get3A_381 = arith.index_cast %add3A_380 : i32 to index
        %get3A_382 = arith.index_cast %mul3A_301 : i32 to index
        %get3A_383 = tpu.vector_load %arg6[%get3A_381, %get3A_382] {strides = array<i32>} : memref<128x128xf32, #tpu.memory_space<vmem>>, vector<1x16xf32>,
        %get3A_384 = vector.shape_cast %get3A_383 : vector<1x16xf32> to vector<16xf32>
        %add3A_385 = arith.addf %add3A_369, %get3A_384 : vector<16xf32>
        %add3A_386 = arith.constant 10 : i32
        %add3A_387 = arith.addi %mul3A_303, %add3A_386 : i32
        %add3A_388 = arith.constant 1 : i32
        %add3A_389 = arith.addi %add3A_387, %add3A_388 : i32
        %get3A_390 = arith.index_cast %add3A_389 : i32 to index
        %get3A_391 = arith.index_cast %mul3A_301 : i32 to index
        %get3A_392 = tpu.vector_load %arg6[%get3A_390, %get3A_391] {strides = array<i32>} : memref<128x128xf32, #tpu.memory_space<vmem>>, vector<1x16xf32>,
        %get3A_393 = vector.shape_cast %get3A_392 : vector<1x16xf32> to vector<16xf32>
        %add3A_394 = arith.addf %add3A_378, %get3A_393 : vector<16xf32>
        %add3A_395 = arith.constant 12 : i32
        %add3A_396 = arith.addi %mul3A_303, %add3A_395 : i32
        %get3A_397 = arith.index_cast %add3A_396 : i32 to index
        %get3A_398 = arith.index_cast %mul3A_301 : i32 to index
        %get3A_399 = tpu.vector_load %arg6[%get3A_397, %get3A_398] {strides = array<i32>} : memref<128x128xf32, #tpu.memory_space<vmem>>, vector<1x16xf32>,
        %get3A_400 = vector.shape_cast %get3A_399 : vector<1x16xf32> to vector<16xf32>
        %add3A_401 = arith.addf %add3A_385, %get3A_400 : vector<16xf32>
        %add3A_402 = arith.constant 12 : i32
        %add3A_403 = arith.addi %mul3A_303, %add3A_402 : i32
        %add3A_404 = arith.constant 1 : i32
        %add3A_405 = arith.addi %add3A_403, %add3A_404 : i32
        %get3A_406 = arith.index_cast %add3A_405 : i32 to index
        %get3A_407 = arith.index_cast %mul3A_301 : i32 to index
        %get3A_408 = tpu.vector_load %arg6[%get3A_406, %get3A_407] {strides = array<i32>} : memref<128x128xf32, #tpu.memory_space<vmem>>, vector<1x16xf32>,
        %get3A_409 = vector.shape_cast %get3A_408 : vector<1x16xf32> to vector<16xf32>
        %add3A_410 = arith.addf %add3A_394, %get3A_409 : vector<16xf32>
        %add3A_411 = arith.constant 14 : i32
        %add3A_412 = arith.addi %mul3A_303, %add3A_411 : i32
        %get3A_413 = arith.index_cast %add3A_412 : i32 to index
        %get3A_414 = arith.index_cast %mul3A_301 : i32 to index
        %get3A_415 = tpu.vector_load %arg6[%get3A_413, %get3A_414] {strides = array<i32>} : memref<128x128xf32, #tpu.memory_space<vmem>>, vector<1x16xf32>,
        %get3A_416 = vector.shape_cast %get3A_415 : vector<1x16xf32> to vector<16xf32>
        %add3A_417 = arith.addf %add3A_401, %get3A_416 : vector<16xf32>
        %add3A_418 = arith.constant 14 : i32
        %add3A_419 = arith.addi %mul3A_303, %add3A_418 : i32
        %add3A_420 = arith.constant 1 : i32
        %add3A_421 = arith.addi %add3A_419, %add3A_420 : i32
        %get3A_422 = arith.index_cast %add3A_421 : i32 to index
        %get3A_423 = arith.index_cast %mul3A_301 : i32 to index
        %get3A_424 = tpu.vector_load %arg6[%get3A_422, %get3A_423] {strides = array<i32>} : memref<128x128xf32, #tpu.memory_space<vmem>>, vector<1x16xf32>,
        %get3A_425 = vector.shape_cast %get3A_424 : vector<1x16xf32> to vector<16xf32>
        %add3A_426 = arith.addf %add3A_410, %get3A_425 : vector<16xf32>
        %add3A_427 = arith.constant 16 : i32
        %add3A_428 = arith.addi %mul3A_303, %add3A_427 : i32
        %get3A_429 = arith.index_cast %add3A_428 : i32 to index
        %get3A_430 = arith.index_cast %mul3A_301 : i32 to index
        %get3A_431 = tpu.vector_load %arg6[%get3A_429, %get3A_430] {strides = array<i32>} : memref<128x128xf32, #tpu.memory_space<vmem>>, vector<1x16xf32>,
        %get3A_432 = vector.shape_cast %get3A_431 : vector<1x16xf32> to vector<16xf32>
        %add3A_433 = arith.addf %add3A_417, %get3A_432 : vector<16xf32>
        %add3A_434 = arith.constant 16 : i32
        %add3A_435 = arith.addi %mul3A_303, %add3A_434 : i32
        %add3A_436 = arith.constant 1 : i32
        %add3A_437 = arith.addi %add3A_435, %add3A_436 : i32
        %get3A_438 = arith.index_cast %add3A_437 : i32 to index
        %get3A_439 = arith.index_cast %mul3A_301 : i32 to index
        %get3A_440 = tpu.vector_load %arg6[%get3A_438, %get3A_439] {strides = array<i32>} : memref<128x128xf32, #tpu.memory_space<vmem>>, vector<1x16xf32>,
        %get3A_441 = vector.shape_cast %get3A_440 : vector<1x16xf32> to vector<16xf32>
        %add3A_442 = arith.addf %add3A_426, %get3A_441 : vector<16xf32>
        %add3A_443 = arith.constant 18 : i32
        %add3A_444 = arith.addi %mul3A_303, %add3A_443 : i32
        %get3A_445 = arith.index_cast %add3A_444 : i32 to index
        %get3A_446 = arith.index_cast %mul3A_301 : i32 to index
        %get3A_447 = tpu.vector_load %arg6[%get3A_445, %get3A_446] {strides = array<i32>} : memref<128x128xf32, #tpu.memory_space<vmem>>, vector<1x16xf32>,
        %get3A_448 = vector.shape_cast %get3A_447 : vector<1x16xf32> to vector<16xf32>
        %add3A_449 = arith.addf %add3A_433, %get3A_448 : vector<16xf32>
        %add3A_450 = arith.constant 18 : i32
        %add3A_451 = arith.addi %mul3A_303, %add3A_450 : i32
        %add3A_452 = arith.constant 1 : i32
        %add3A_453 = arith.addi %add3A_451, %add3A_452 : i32
        %get3A_454 = arith.index_cast %add3A_453 : i32 to index
        %get3A_455 = arith.index_cast %mul3A_301 : i32 to index
        %get3A_456 = tpu.vector_load %arg6[%get3A_454, %get3A_455] {strides = array<i32>} : memref<128x128xf32, #tpu.memory_space<vmem>>, vector<1x16xf32>,
        %get3A_457 = vector.shape_cast %get3A_456 : vector<1x16xf32> to vector<16xf32>
        %add3A_458 = arith.addf %add3A_442, %get3A_457 : vector<16xf32>
        %add3A_459 = arith.constant 20 : i32
        %add3A_460 = arith.addi %mul3A_303, %add3A_459 : i32
        %get3A_461 = arith.index_cast %add3A_460 : i32 to index
        %get3A_462 = arith.index_cast %mul3A_301 : i32 to index
        %get3A_463 = tpu.vector_load %arg6[%get3A_461, %get3A_462] {strides = array<i32>} : memref<128x128xf32, #tpu.memory_space<vmem>>, vector<1x16xf32>,
        %get3A_464 = vector.shape_cast %get3A_463 : vector<1x16xf32> to vector<16xf32>
        %add3A_465 = arith.addf %add3A_449, %get3A_464 : vector<16xf32>
        %add3A_466 = arith.constant 20 : i32
        %add3A_467 = arith.addi %mul3A_303, %add3A_466 : i32
        %add3A_468 = arith.constant 1 : i32
        %add3A_469 = arith.addi %add3A_467, %add3A_468 : i32
        %get3A_470 = arith.index_cast %add3A_469 : i32 to index
        %get3A_471 = arith.index_cast %mul3A_301 : i32 to index
        %get3A_472 = tpu.vector_load %arg6[%get3A_470, %get3A_471] {strides = array<i32>} : memref<128x128xf32, #tpu.memory_space<vmem>>, vector<1x16xf32>,
        %get3A_473 = vector.shape_cast %get3A_472 : vector<1x16xf32> to vector<16xf32>
        %add3A_474 = arith.addf %add3A_458, %get3A_473 : vector<16xf32>
        %add3A_475 = arith.constant 22 : i32
        %add3A_476 = arith.addi %mul3A_303, %add3A_475 : i32
        %get3A_477 = arith.index_cast %add3A_476 : i32 to index
        %get3A_478 = arith.index_cast %mul3A_301 : i32 to index
        %get3A_479 = tpu.vector_load %arg6[%get3A_477, %get3A_478] {strides = array<i32>} : memref<128x128xf32, #tpu.memory_space<vmem>>, vector<1x16xf32>,
        %get3A_480 = vector.shape_cast %get3A_479 : vector<1x16xf32> to vector<16xf32>
        %add3A_481 = arith.addf %add3A_465, %get3A_480 : vector<16xf32>
        %add3A_482 = arith.constant 22 : i32
        %add3A_483 = arith.addi %mul3A_303, %add3A_482 : i32
        %add3A_484 = arith.constant 1 : i32
        %add3A_485 = arith.addi %add3A_483, %add3A_484 : i32
        %get3A_486 = arith.index_cast %add3A_485 : i32 to index
        %get3A_487 = arith.index_cast %mul3A_301 : i32 to index
        %get3A_488 = tpu.vector_load %arg6[%get3A_486, %get3A_487] {strides = array<i32>} : memref<128x128xf32, #tpu.memory_space<vmem>>, vector<1x16xf32>,
        %get3A_489 = vector.shape_cast %get3A_488 : vector<1x16xf32> to vector<16xf32>
        %add3A_490 = arith.addf %add3A_474, %get3A_489 : vector<16xf32>
        %add3A_491 = arith.constant 24 : i32
        %add3A_492 = arith.addi %mul3A_303, %add3A_491 : i32
        %get3A_493 = arith.index_cast %add3A_492 : i32 to index
        %get3A_494 = arith.index_cast %mul3A_301 : i32 to index
        %get3A_495 = tpu.vector_load %arg6[%get3A_493, %get3A_494] {strides = array<i32>} : memref<128x128xf32, #tpu.memory_space<vmem>>, vector<1x16xf32>,
        %get3A_496 = vector.shape_cast %get3A_495 : vector<1x16xf32> to vector<16xf32>
        %add3A_497 = arith.addf %add3A_481, %get3A_496 : vector<16xf32>
        %add3A_498 = arith.constant 24 : i32
        %add3A_499 = arith.addi %mul3A_303, %add3A_498 : i32
        %add3A_500 = arith.constant 1 : i32
        %add3A_501 = arith.addi %add3A_499, %add3A_500 : i32
        %get3A_502 = arith.index_cast %add3A_501 : i32 to index
        %get3A_503 = arith.index_cast %mul3A_301 : i32 to index
        %get3A_504 = tpu.vector_load %arg6[%get3A_502, %get3A_503] {strides = array<i32>} : memref<128x128xf32, #tpu.memory_space<vmem>>, vector<1x16xf32>,
        %get3A_505 = vector.shape_cast %get3A_504 : vector<1x16xf32> to vector<16xf32>
        %add3A_506 = arith.addf %add3A_490, %get3A_505 : vector<16xf32>
        %add3A_507 = arith.constant 26 : i32
        %add3A_508 = arith.addi %mul3A_303, %add3A_507 : i32
        %get3A_509 = arith.index_cast %add3A_508 : i32 to index
        %get3A_510 = arith.index_cast %mul3A_301 : i32 to index
        %get3A_511 = tpu.vector_load %arg6[%get3A_509, %get3A_510] {strides = array<i32>} : memref<128x128xf32, #tpu.memory_space<vmem>>, vector<1x16xf32>,
        %get3A_512 = vector.shape_cast %get3A_511 : vector<1x16xf32> to vector<16xf32>
        %add3A_513 = arith.addf %add3A_497, %get3A_512 : vector<16xf32>
        %add3A_514 = arith.constant 26 : i32
        %add3A_515 = arith.addi %mul3A_303, %add3A_514 : i32
        %add3A_516 = arith.constant 1 : i32
        %add3A_517 = arith.addi %add3A_515, %add3A_516 : i32
        %get3A_518 = arith.index_cast %add3A_517 : i32 to index
        %get3A_519 = arith.index_cast %mul3A_301 : i32 to index
        %get3A_520 = tpu.vector_load %arg6[%get3A_518, %get3A_519] {strides = array<i32>} : memref<128x128xf32, #tpu.memory_space<vmem>>, vector<1x16xf32>,
        %get3A_521 = vector.shape_cast %get3A_520 : vector<1x16xf32> to vector<16xf32>
        %add3A_522 = arith.addf %add3A_506, %get3A_521 : vector<16xf32>
        %add3A_523 = arith.constant 28 : i32
        %add3A_524 = arith.addi %mul3A_303, %add3A_523 : i32
        %get3A_525 = arith.index_cast %add3A_524 : i32 to index
        %get3A_526 = arith.index_cast %mul3A_301 : i32 to index
        %get3A_527 = tpu.vector_load %arg6[%get3A_525, %get3A_526] {strides = array<i32>} : memref<128x128xf32, #tpu.memory_space<vmem>>, vector<1x16xf32>,
        %get3A_528 = vector.shape_cast %get3A_527 : vector<1x16xf32> to vector<16xf32>
        %add3A_529 = arith.addf %add3A_513, %get3A_528 : vector<16xf32>
        %add3A_530 = arith.constant 28 : i32
        %add3A_531 = arith.addi %mul3A_303, %add3A_530 : i32
        %add3A_532 = arith.constant 1 : i32
        %add3A_533 = arith.addi %add3A_531, %add3A_532 : i32
        %get3A_534 = arith.index_cast %add3A_533 : i32 to index
        %get3A_535 = arith.index_cast %mul3A_301 : i32 to index
        %get3A_536 = tpu.vector_load %arg6[%get3A_534, %get3A_535] {strides = array<i32>} : memref<128x128xf32, #tpu.memory_space<vmem>>, vector<1x16xf32>,
        %get3A_537 = vector.shape_cast %get3A_536 : vector<1x16xf32> to vector<16xf32>
        %add3A_538 = arith.addf %add3A_522, %get3A_537 : vector<16xf32>
        %add3A_539 = arith.constant 30 : i32
        %add3A_540 = arith.addi %mul3A_303, %add3A_539 : i32
        %get3A_541 = arith.index_cast %add3A_540 : i32 to index
        %get3A_542 = arith.index_cast %mul3A_301 : i32 to index
        %get3A_543 = tpu.vector_load %arg6[%get3A_541, %get3A_542] {strides = array<i32>} : memref<128x128xf32, #tpu.memory_space<vmem>>, vector<1x16xf32>,
        %get3A_544 = vector.shape_cast %get3A_543 : vector<1x16xf32> to vector<16xf32>
        %add3A_545 = arith.addf %add3A_529, %get3A_544 : vector<16xf32>
        %add3A_546 = arith.constant 30 : i32
        %add3A_547 = arith.addi %mul3A_303, %add3A_546 : i32
        %add3A_548 = arith.constant 1 : i32
        %add3A_549 = arith.addi %add3A_547, %add3A_548 : i32
        %get3A_550 = arith.index_cast %add3A_549 : i32 to index
        %get3A_551 = arith.index_cast %mul3A_301 : i32 to index
        %get3A_552 = tpu.vector_load %arg6[%get3A_550, %get3A_551] {strides = array<i32>} : memref<128x128xf32, #tpu.memory_space<vmem>>, vector<1x16xf32>,
        %get3A_553 = vector.shape_cast %get3A_552 : vector<1x16xf32> to vector<16xf32>
        %add3A_554 = arith.addf %add3A_538, %get3A_553 : vector<16xf32>
        %add3A_555 = arith.addf %add3A_545, %add3A_554 : vector<16xf32>
        %add3A_556 = arith.constant 0 : i32
        %add3A_557 = arith.addi %add3A_556, %select_n3A : i32
        %swap3A = arith.index_cast %add3A_557 : i32 to index
        %swap3A_558 = arith.index_cast %mul3A_301 : i32 to index
        %swap3A_559 = tpu.vector_load %arg10[%swap3A, %swap3A_558] {strides = array<i32>} : memref<8x128xf32, #tpu.memory_space<vmem>>, vector<1x16xf32>,
        %swap3A_560 = vector.shape_cast %swap3A_559 : vector<1x16xf32> to vector<16xf32>
        %swap3A_561 = vector.shape_cast %add3A_555 : vector<16xf32> to vector<1x16xf32>
        tpu.vector_store %arg10[%swap3A, %swap3A_558], %swap3A_561 {strides = array<i32>} : memref<8x128xf32, #tpu.memory_space<vmem>>, vector<1x16xf32>,
      }
      %scan3A_153 = arith.constant 32 : i32
      %scan3A_154 = arith.constant 0 : i32
      %scan3A_155 = arith.constant 0 : i32
      %scan3A_156 = arith.constant 32 : i32
      %scan3A_157 = arith.addi %scan3A_155, %scan3A_156 : i32
      %scan3A_158 = arith.constant 1 : i32
      scf.for %scan3A_269 = %scan3A_155 to %scan3A_157 step %scan3A_158  : i32 {
        %jit3A = arith.constant 8 : i32
        %div3A = arith.divsi %scan3A_269, %jit3A : i32
        %sign3A = arith.constant 0 : i32
        %sign3A_270 = arith.cmpi sgt, %scan3A_269, %sign3A : i32
        %sign3A_271 = arith.extui %sign3A_270 : i1 to i32
        %sign3A_272 = arith.constant 0 : i32
        %sign3A_273 = arith.cmpi slt, %scan3A_269, %sign3A_272 : i32
        %sign3A_274 = arith.extui %sign3A_273 : i1 to i32
        %sign3A_275 = arith.subi %sign3A_271, %sign3A_274 : i32
        %sign3A_276 = arith.constant 0 : i32
        %sign3A_277 = arith.cmpi sgt, %jit3A, %sign3A_276 : i32
        %sign3A_278 = arith.extui %sign3A_277 : i1 to i32
        %sign3A_279 = arith.constant 0 : i32
        %sign3A_280 = arith.cmpi slt, %jit3A, %sign3A_279 : i32
        %sign3A_281 = arith.extui %sign3A_280 : i1 to i32
        %sign3A_282 = arith.subi %sign3A_278, %sign3A_281 : i32
        %ne3A = arith.cmpi ne, %sign3A_275, %sign3A_282 : i32
        %rem3A = arith.remsi %scan3A_269, %jit3A : i32
        %ne3A_283 = arith.constant 0 : i32
        %ne3A_284 = arith.cmpi ne, %rem3A, %ne3A_283 : i32
        %and3A = arith.andi %ne3A, %ne3A_284 : i1
        %sub3A = arith.constant 1 : i32
        %sub3A_285 = arith.subi %div3A, %sub3A : i32
        %select_n3A = arith.select %and3A, %sub3A_285, %div3A : i32
        %jit3A_286 = arith.constant 8 : i32
        %eq3A = arith.constant 0 : i32
        %eq3A_287 = arith.cmpi eq, %jit3A_286, %eq3A : i32
        %jit3A_288 = arith.constant 1 : i32
        %select_n3A_289 = arith.select %eq3A_287, %jit3A_288, %jit3A_286 : i32
        %rem3A_290 = arith.remsi %scan3A_269, %select_n3A_289 : i32
        %ne3A_291 = arith.constant 0 : i32
        %ne3A_292 = arith.cmpi ne, %rem3A_290, %ne3A_291 : i32
        %lt3A = arith.constant 0 : i32
        %lt3A_293 = arith.cmpi slt, %rem3A_290, %lt3A : i32
        %lt3A_294 = arith.constant 0 : i32
        %lt3A_295 = arith.cmpi slt, %select_n3A_289, %lt3A_294 : i32
        %ne3A_296 = arith.xori %lt3A_293, %lt3A_295 : i1
        %and3A_297 = arith.andi %ne3A_296, %ne3A_292 : i1
        %add3A_298 = arith.addi %rem3A_290, %select_n3A_289 : i32
        %select_n3A_299 = arith.select %and3A_297, %add3A_298, %rem3A_290 : i32
        %mul3A_300 = arith.constant 16 : i32
        %mul3A_301 = arith.muli %select_n3A_299, %mul3A_300 : i32
        %mul3A_302 = arith.constant 32 : i32
        %mul3A_303 = arith.muli %select_n3A, %mul3A_302 : i32
        %add3A_304 = arith.constant 0 : i32
        %add3A_305 = arith.addi %mul3A_303, %add3A_304 : i32
        %get3A = arith.index_cast %add3A_305 : i32 to index
        %get3A_306 = arith.index_cast %mul3A_301 : i32 to index
        %get3A_307 = tpu.vector_load %arg7[%get3A, %get3A_306] {strides = array<i32>} : memref<128x128xf32, #tpu.memory_space<vmem>>, vector<1x16xf32>,
        %get3A_308 = vector.shape_cast %get3A_307 : vector<1x16xf32> to vector<16xf32>
        %add3A_309 = arith.constant 1 : i32
        %add3A_310 = arith.addi %mul3A_303, %add3A_309 : i32
        %get3A_311 = arith.index_cast %add3A_310 : i32 to index
        %get3A_312 = arith.index_cast %mul3A_301 : i32 to index
        %get3A_313 = tpu.vector_load %arg7[%get3A_311, %get3A_312] {strides = array<i32>} : memref<128x128xf32, #tpu.memory_space<vmem>>, vector<1x16xf32>,
        %get3A_314 = vector.shape_cast %get3A_313 : vector<1x16xf32> to vector<16xf32>
        %add3A_315 = arith.constant 2 : i32
        %add3A_316 = arith.addi %mul3A_303, %add3A_315 : i32
        %get3A_317 = arith.index_cast %add3A_316 : i32 to index
        %get3A_318 = arith.index_cast %mul3A_301 : i32 to index
        %get3A_319 = tpu.vector_load %arg7[%get3A_317, %get3A_318] {strides = array<i32>} : memref<128x128xf32, #tpu.memory_space<vmem>>, vector<1x16xf32>,
        %get3A_320 = vector.shape_cast %get3A_319 : vector<1x16xf32> to vector<16xf32>
        %add3A_321 = arith.addf %get3A_308, %get3A_320 : vector<16xf32>
        %add3A_322 = arith.constant 2 : i32
        %add3A_323 = arith.addi %mul3A_303, %add3A_322 : i32
        %add3A_324 = arith.constant 1 : i32
        %add3A_325 = arith.addi %add3A_323, %add3A_324 : i32
        %get3A_326 = arith.index_cast %add3A_325 : i32 to index
        %get3A_327 = arith.index_cast %mul3A_301 : i32 to index
        %get3A_328 = tpu.vector_load %arg7[%get3A_326, %get3A_327] {strides = array<i32>} : memref<128x128xf32, #tpu.memory_space<vmem>>, vector<1x16xf32>,
        %get3A_329 = vector.shape_cast %get3A_328 : vector<1x16xf32> to vector<16xf32>
        %add3A_330 = arith.addf %get3A_314, %get3A_329 : vector<16xf32>
        %add3A_331 = arith.constant 4 : i32
        %add3A_332 = arith.addi %mul3A_303, %add3A_331 : i32
        %get3A_333 = arith.index_cast %add3A_332 : i32 to index
        %get3A_334 = arith.index_cast %mul3A_301 : i32 to index
        %get3A_335 = tpu.vector_load %arg7[%get3A_333, %get3A_334] {strides = array<i32>} : memref<128x128xf32, #tpu.memory_space<vmem>>, vector<1x16xf32>,
        %get3A_336 = vector.shape_cast %get3A_335 : vector<1x16xf32> to vector<16xf32>
        %add3A_337 = arith.addf %add3A_321, %get3A_336 : vector<16xf32>
        %add3A_338 = arith.constant 4 : i32
        %add3A_339 = arith.addi %mul3A_303, %add3A_338 : i32
        %add3A_340 = arith.constant 1 : i32
        %add3A_341 = arith.addi %add3A_339, %add3A_340 : i32
        %get3A_342 = arith.index_cast %add3A_341 : i32 to index
        %get3A_343 = arith.index_cast %mul3A_301 : i32 to index
        %get3A_344 = tpu.vector_load %arg7[%get3A_342, %get3A_343] {strides = array<i32>} : memref<128x128xf32, #tpu.memory_space<vmem>>, vector<1x16xf32>,
        %get3A_345 = vector.shape_cast %get3A_344 : vector<1x16xf32> to vector<16xf32>
        %add3A_346 = arith.addf %add3A_330, %get3A_345 : vector<16xf32>
        %add3A_347 = arith.constant 6 : i32
        %add3A_348 = arith.addi %mul3A_303, %add3A_347 : i32
        %get3A_349 = arith.index_cast %add3A_348 : i32 to index
        %get3A_350 = arith.index_cast %mul3A_301 : i32 to index
        %get3A_351 = tpu.vector_load %arg7[%get3A_349, %get3A_350] {strides = array<i32>} : memref<128x128xf32, #tpu.memory_space<vmem>>, vector<1x16xf32>,
        %get3A_352 = vector.shape_cast %get3A_351 : vector<1x16xf32> to vector<16xf32>
        %add3A_353 = arith.addf %add3A_337, %get3A_352 : vector<16xf32>
        %add3A_354 = arith.constant 6 : i32
        %add3A_355 = arith.addi %mul3A_303, %add3A_354 : i32
        %add3A_356 = arith.constant 1 : i32
        %add3A_357 = arith.addi %add3A_355, %add3A_356 : i32
        %get3A_358 = arith.index_cast %add3A_357 : i32 to index
        %get3A_359 = arith.index_cast %mul3A_301 : i32 to index
        %get3A_360 = tpu.vector_load %arg7[%get3A_358, %get3A_359] {strides = array<i32>} : memref<128x128xf32, #tpu.memory_space<vmem>>, vector<1x16xf32>,
        %get3A_361 = vector.shape_cast %get3A_360 : vector<1x16xf32> to vector<16xf32>
        %add3A_362 = arith.addf %add3A_346, %get3A_361 : vector<16xf32>
        %add3A_363 = arith.constant 8 : i32
        %add3A_364 = arith.addi %mul3A_303, %add3A_363 : i32
        %get3A_365 = arith.index_cast %add3A_364 : i32 to index
        %get3A_366 = arith.index_cast %mul3A_301 : i32 to index
        %get3A_367 = tpu.vector_load %arg7[%get3A_365, %get3A_366] {strides = array<i32>} : memref<128x128xf32, #tpu.memory_space<vmem>>, vector<1x16xf32>,
        %get3A_368 = vector.shape_cast %get3A_367 : vector<1x16xf32> to vector<16xf32>
        %add3A_369 = arith.addf %add3A_353, %get3A_368 : vector<16xf32>
        %add3A_370 = arith.constant 8 : i32
        %add3A_371 = arith.addi %mul3A_303, %add3A_370 : i32
        %add3A_372 = arith.constant 1 : i32
        %add3A_373 = arith.addi %add3A_371, %add3A_372 : i32
        %get3A_374 = arith.index_cast %add3A_373 : i32 to index
        %get3A_375 = arith.index_cast %mul3A_301 : i32 to index
        %get3A_376 = tpu.vector_load %arg7[%get3A_374, %get3A_375] {strides = array<i32>} : memref<128x128xf32, #tpu.memory_space<vmem>>, vector<1x16xf32>,
        %get3A_377 = vector.shape_cast %get3A_376 : vector<1x16xf32> to vector<16xf32>
        %add3A_378 = arith.addf %add3A_362, %get3A_377 : vector<16xf32>
        %add3A_379 = arith.constant 10 : i32
        %add3A_380 = arith.addi %mul3A_303, %add3A_379 : i32
        %get3A_381 = arith.index_cast %add3A_380 : i32 to index
        %get3A_382 = arith.index_cast %mul3A_301 : i32 to index
        %get3A_383 = tpu.vector_load %arg7[%get3A_381, %get3A_382] {strides = array<i32>} : memref<128x128xf32, #tpu.memory_space<vmem>>, vector<1x16xf32>,
        %get3A_384 = vector.shape_cast %get3A_383 : vector<1x16xf32> to vector<16xf32>
        %add3A_385 = arith.addf %add3A_369, %get3A_384 : vector<16xf32>
        %add3A_386 = arith.constant 10 : i32
        %add3A_387 = arith.addi %mul3A_303, %add3A_386 : i32
        %add3A_388 = arith.constant 1 : i32
        %add3A_389 = arith.addi %add3A_387, %add3A_388 : i32
        %get3A_390 = arith.index_cast %add3A_389 : i32 to index
        %get3A_391 = arith.index_cast %mul3A_301 : i32 to index
        %get3A_392 = tpu.vector_load %arg7[%get3A_390, %get3A_391] {strides = array<i32>} : memref<128x128xf32, #tpu.memory_space<vmem>>, vector<1x16xf32>,
        %get3A_393 = vector.shape_cast %get3A_392 : vector<1x16xf32> to vector<16xf32>
        %add3A_394 = arith.addf %add3A_378, %get3A_393 : vector<16xf32>
        %add3A_395 = arith.constant 12 : i32
        %add3A_396 = arith.addi %mul3A_303, %add3A_395 : i32
        %get3A_397 = arith.index_cast %add3A_396 : i32 to index
        %get3A_398 = arith.index_cast %mul3A_301 : i32 to index
        %get3A_399 = tpu.vector_load %arg7[%get3A_397, %get3A_398] {strides = array<i32>} : memref<128x128xf32, #tpu.memory_space<vmem>>, vector<1x16xf32>,
        %get3A_400 = vector.shape_cast %get3A_399 : vector<1x16xf32> to vector<16xf32>
        %add3A_401 = arith.addf %add3A_385, %get3A_400 : vector<16xf32>
        %add3A_402 = arith.constant 12 : i32
        %add3A_403 = arith.addi %mul3A_303, %add3A_402 : i32
        %add3A_404 = arith.constant 1 : i32
        %add3A_405 = arith.addi %add3A_403, %add3A_404 : i32
        %get3A_406 = arith.index_cast %add3A_405 : i32 to index
        %get3A_407 = arith.index_cast %mul3A_301 : i32 to index
        %get3A_408 = tpu.vector_load %arg7[%get3A_406, %get3A_407] {strides = array<i32>} : memref<128x128xf32, #tpu.memory_space<vmem>>, vector<1x16xf32>,
        %get3A_409 = vector.shape_cast %get3A_408 : vector<1x16xf32> to vector<16xf32>
        %add3A_410 = arith.addf %add3A_394, %get3A_409 : vector<16xf32>
        %add3A_411 = arith.constant 14 : i32
        %add3A_412 = arith.addi %mul3A_303, %add3A_411 : i32
        %get3A_413 = arith.index_cast %add3A_412 : i32 to index
        %get3A_414 = arith.index_cast %mul3A_301 : i32 to index
        %get3A_415 = tpu.vector_load %arg7[%get3A_413, %get3A_414] {strides = array<i32>} : memref<128x128xf32, #tpu.memory_space<vmem>>, vector<1x16xf32>,
        %get3A_416 = vector.shape_cast %get3A_415 : vector<1x16xf32> to vector<16xf32>
        %add3A_417 = arith.addf %add3A_401, %get3A_416 : vector<16xf32>
        %add3A_418 = arith.constant 14 : i32
        %add3A_419 = arith.addi %mul3A_303, %add3A_418 : i32
        %add3A_420 = arith.constant 1 : i32
        %add3A_421 = arith.addi %add3A_419, %add3A_420 : i32
        %get3A_422 = arith.index_cast %add3A_421 : i32 to index
        %get3A_423 = arith.index_cast %mul3A_301 : i32 to index
        %get3A_424 = tpu.vector_load %arg7[%get3A_422, %get3A_423] {strides = array<i32>} : memref<128x128xf32, #tpu.memory_space<vmem>>, vector<1x16xf32>,
        %get3A_425 = vector.shape_cast %get3A_424 : vector<1x16xf32> to vector<16xf32>
        %add3A_426 = arith.addf %add3A_410, %get3A_425 : vector<16xf32>
        %add3A_427 = arith.constant 16 : i32
        %add3A_428 = arith.addi %mul3A_303, %add3A_427 : i32
        %get3A_429 = arith.index_cast %add3A_428 : i32 to index
        %get3A_430 = arith.index_cast %mul3A_301 : i32 to index
        %get3A_431 = tpu.vector_load %arg7[%get3A_429, %get3A_430] {strides = array<i32>} : memref<128x128xf32, #tpu.memory_space<vmem>>, vector<1x16xf32>,
        %get3A_432 = vector.shape_cast %get3A_431 : vector<1x16xf32> to vector<16xf32>
        %add3A_433 = arith.addf %add3A_417, %get3A_432 : vector<16xf32>
        %add3A_434 = arith.constant 16 : i32
        %add3A_435 = arith.addi %mul3A_303, %add3A_434 : i32
        %add3A_436 = arith.constant 1 : i32
        %add3A_437 = arith.addi %add3A_435, %add3A_436 : i32
        %get3A_438 = arith.index_cast %add3A_437 : i32 to index
        %get3A_439 = arith.index_cast %mul3A_301 : i32 to index
        %get3A_440 = tpu.vector_load %arg7[%get3A_438, %get3A_439] {strides = array<i32>} : memref<128x128xf32, #tpu.memory_space<vmem>>, vector<1x16xf32>,
        %get3A_441 = vector.shape_cast %get3A_440 : vector<1x16xf32> to vector<16xf32>
        %add3A_442 = arith.addf %add3A_426, %get3A_441 : vector<16xf32>
        %add3A_443 = arith.constant 18 : i32
        %add3A_444 = arith.addi %mul3A_303, %add3A_443 : i32
        %get3A_445 = arith.index_cast %add3A_444 : i32 to index
        %get3A_446 = arith.index_cast %mul3A_301 : i32 to index
        %get3A_447 = tpu.vector_load %arg7[%get3A_445, %get3A_446] {strides = array<i32>} : memref<128x128xf32, #tpu.memory_space<vmem>>, vector<1x16xf32>,
        %get3A_448 = vector.shape_cast %get3A_447 : vector<1x16xf32> to vector<16xf32>
        %add3A_449 = arith.addf %add3A_433, %get3A_448 : vector<16xf32>
        %add3A_450 = arith.constant 18 : i32
        %add3A_451 = arith.addi %mul3A_303, %add3A_450 : i32
        %add3A_452 = arith.constant 1 : i32
        %add3A_453 = arith.addi %add3A_451, %add3A_452 : i32
        %get3A_454 = arith.index_cast %add3A_453 : i32 to index
        %get3A_455 = arith.index_cast %mul3A_301 : i32 to index
        %get3A_456 = tpu.vector_load %arg7[%get3A_454, %get3A_455] {strides = array<i32>} : memref<128x128xf32, #tpu.memory_space<vmem>>, vector<1x16xf32>,
        %get3A_457 = vector.shape_cast %get3A_456 : vector<1x16xf32> to vector<16xf32>
        %add3A_458 = arith.addf %add3A_442, %get3A_457 : vector<16xf32>
        %add3A_459 = arith.constant 20 : i32
        %add3A_460 = arith.addi %mul3A_303, %add3A_459 : i32
        %get3A_461 = arith.index_cast %add3A_460 : i32 to index
        %get3A_462 = arith.index_cast %mul3A_301 : i32 to index
        %get3A_463 = tpu.vector_load %arg7[%get3A_461, %get3A_462] {strides = array<i32>} : memref<128x128xf32, #tpu.memory_space<vmem>>, vector<1x16xf32>,
        %get3A_464 = vector.shape_cast %get3A_463 : vector<1x16xf32> to vector<16xf32>
        %add3A_465 = arith.addf %add3A_449, %get3A_464 : vector<16xf32>
        %add3A_466 = arith.constant 20 : i32
        %add3A_467 = arith.addi %mul3A_303, %add3A_466 : i32
        %add3A_468 = arith.constant 1 : i32
        %add3A_469 = arith.addi %add3A_467, %add3A_468 : i32
        %get3A_470 = arith.index_cast %add3A_469 : i32 to index
        %get3A_471 = arith.index_cast %mul3A_301 : i32 to index
        %get3A_472 = tpu.vector_load %arg7[%get3A_470, %get3A_471] {strides = array<i32>} : memref<128x128xf32, #tpu.memory_space<vmem>>, vector<1x16xf32>,
        %get3A_473 = vector.shape_cast %get3A_472 : vector<1x16xf32> to vector<16xf32>
        %add3A_474 = arith.addf %add3A_458, %get3A_473 : vector<16xf32>
        %add3A_475 = arith.constant 22 : i32
        %add3A_476 = arith.addi %mul3A_303, %add3A_475 : i32
        %get3A_477 = arith.index_cast %add3A_476 : i32 to index
        %get3A_478 = arith.index_cast %mul3A_301 : i32 to index
        %get3A_479 = tpu.vector_load %arg7[%get3A_477, %get3A_478] {strides = array<i32>} : memref<128x128xf32, #tpu.memory_space<vmem>>, vector<1x16xf32>,
        %get3A_480 = vector.shape_cast %get3A_479 : vector<1x16xf32> to vector<16xf32>
        %add3A_481 = arith.addf %add3A_465, %get3A_480 : vector<16xf32>
        %add3A_482 = arith.constant 22 : i32
        %add3A_483 = arith.addi %mul3A_303, %add3A_482 : i32
        %add3A_484 = arith.constant 1 : i32
        %add3A_485 = arith.addi %add3A_483, %add3A_484 : i32
        %get3A_486 = arith.index_cast %add3A_485 : i32 to index
        %get3A_487 = arith.index_cast %mul3A_301 : i32 to index
        %get3A_488 = tpu.vector_load %arg7[%get3A_486, %get3A_487] {strides = array<i32>} : memref<128x128xf32, #tpu.memory_space<vmem>>, vector<1x16xf32>,
        %get3A_489 = vector.shape_cast %get3A_488 : vector<1x16xf32> to vector<16xf32>
        %add3A_490 = arith.addf %add3A_474, %get3A_489 : vector<16xf32>
        %add3A_491 = arith.constant 24 : i32
        %add3A_492 = arith.addi %mul3A_303, %add3A_491 : i32
        %get3A_493 = arith.index_cast %add3A_492 : i32 to index
        %get3A_494 = arith.index_cast %mul3A_301 : i32 to index
        %get3A_495 = tpu.vector_load %arg7[%get3A_493, %get3A_494] {strides = array<i32>} : memref<128x128xf32, #tpu.memory_space<vmem>>, vector<1x16xf32>,
        %get3A_496 = vector.shape_cast %get3A_495 : vector<1x16xf32> to vector<16xf32>
        %add3A_497 = arith.addf %add3A_481, %get3A_496 : vector<16xf32>
        %add3A_498 = arith.constant 24 : i32
        %add3A_499 = arith.addi %mul3A_303, %add3A_498 : i32
        %add3A_500 = arith.constant 1 : i32
        %add3A_501 = arith.addi %add3A_499, %add3A_500 : i32
        %get3A_502 = arith.index_cast %add3A_501 : i32 to index
        %get3A_503 = arith.index_cast %mul3A_301 : i32 to index
        %get3A_504 = tpu.vector_load %arg7[%get3A_502, %get3A_503] {strides = array<i32>} : memref<128x128xf32, #tpu.memory_space<vmem>>, vector<1x16xf32>,
        %get3A_505 = vector.shape_cast %get3A_504 : vector<1x16xf32> to vector<16xf32>
        %add3A_506 = arith.addf %add3A_490, %get3A_505 : vector<16xf32>
        %add3A_507 = arith.constant 26 : i32
        %add3A_508 = arith.addi %mul3A_303, %add3A_507 : i32
        %get3A_509 = arith.index_cast %add3A_508 : i32 to index
        %get3A_510 = arith.index_cast %mul3A_301 : i32 to index
        %get3A_511 = tpu.vector_load %arg7[%get3A_509, %get3A_510] {strides = array<i32>} : memref<128x128xf32, #tpu.memory_space<vmem>>, vector<1x16xf32>,
        %get3A_512 = vector.shape_cast %get3A_511 : vector<1x16xf32> to vector<16xf32>
        %add3A_513 = arith.addf %add3A_497, %get3A_512 : vector<16xf32>
        %add3A_514 = arith.constant 26 : i32
        %add3A_515 = arith.addi %mul3A_303, %add3A_514 : i32
        %add3A_516 = arith.constant 1 : i32
        %add3A_517 = arith.addi %add3A_515, %add3A_516 : i32
        %get3A_518 = arith.index_cast %add3A_517 : i32 to index
        %get3A_519 = arith.index_cast %mul3A_301 : i32 to index
        %get3A_520 = tpu.vector_load %arg7[%get3A_518, %get3A_519] {strides = array<i32>} : memref<128x128xf32, #tpu.memory_space<vmem>>, vector<1x16xf32>,
        %get3A_521 = vector.shape_cast %get3A_520 : vector<1x16xf32> to vector<16xf32>
        %add3A_522 = arith.addf %add3A_506, %get3A_521 : vector<16xf32>
        %add3A_523 = arith.constant 28 : i32
        %add3A_524 = arith.addi %mul3A_303, %add3A_523 : i32
        %get3A_525 = arith.index_cast %add3A_524 : i32 to index
        %get3A_526 = arith.index_cast %mul3A_301 : i32 to index
        %get3A_527 = tpu.vector_load %arg7[%get3A_525, %get3A_526] {strides = array<i32>} : memref<128x128xf32, #tpu.memory_space<vmem>>, vector<1x16xf32>,
        %get3A_528 = vector.shape_cast %get3A_527 : vector<1x16xf32> to vector<16xf32>
        %add3A_529 = arith.addf %add3A_513, %get3A_528 : vector<16xf32>
        %add3A_530 = arith.constant 28 : i32
        %add3A_531 = arith.addi %mul3A_303, %add3A_530 : i32
        %add3A_532 = arith.constant 1 : i32
        %add3A_533 = arith.addi %add3A_531, %add3A_532 : i32
        %get3A_534 = arith.index_cast %add3A_533 : i32 to index
        %get3A_535 = arith.index_cast %mul3A_301 : i32 to index
        %get3A_536 = tpu.vector_load %arg7[%get3A_534, %get3A_535] {strides = array<i32>} : memref<128x128xf32, #tpu.memory_space<vmem>>, vector<1x16xf32>,
        %get3A_537 = vector.shape_cast %get3A_536 : vector<1x16xf32> to vector<16xf32>
        %add3A_538 = arith.addf %add3A_522, %get3A_537 : vector<16xf32>
        %add3A_539 = arith.constant 30 : i32
        %add3A_540 = arith.addi %mul3A_303, %add3A_539 : i32
        %get3A_541 = arith.index_cast %add3A_540 : i32 to index
        %get3A_542 = arith.index_cast %mul3A_301 : i32 to index
        %get3A_543 = tpu.vector_load %arg7[%get3A_541, %get3A_542] {strides = array<i32>} : memref<128x128xf32, #tpu.memory_space<vmem>>, vector<1x16xf32>,
        %get3A_544 = vector.shape_cast %get3A_543 : vector<1x16xf32> to vector<16xf32>
        %add3A_545 = arith.addf %add3A_529, %get3A_544 : vector<16xf32>
        %add3A_546 = arith.constant 30 : i32
        %add3A_547 = arith.addi %mul3A_303, %add3A_546 : i32
        %add3A_548 = arith.constant 1 : i32
        %add3A_549 = arith.addi %add3A_547, %add3A_548 : i32
        %get3A_550 = arith.index_cast %add3A_549 : i32 to index
        %get3A_551 = arith.index_cast %mul3A_301 : i32 to index
        %get3A_552 = tpu.vector_load %arg7[%get3A_550, %get3A_551] {strides = array<i32>} : memref<128x128xf32, #tpu.memory_space<vmem>>, vector<1x16xf32>,
        %get3A_553 = vector.shape_cast %get3A_552 : vector<1x16xf32> to vector<16xf32>
        %add3A_554 = arith.addf %add3A_538, %get3A_553 : vector<16xf32>
        %add3A_555 = arith.addf %add3A_545, %add3A_554 : vector<16xf32>
        %add3A_556 = arith.constant 4 : i32
        %add3A_557 = arith.addi %add3A_556, %select_n3A : i32
        %swap3A = arith.index_cast %add3A_557 : i32 to index
        %swap3A_558 = arith.index_cast %mul3A_301 : i32 to index
        %swap3A_559 = tpu.vector_load %arg10[%swap3A, %swap3A_558] {strides = array<i32>} : memref<8x128xf32, #tpu.memory_space<vmem>>, vector<1x16xf32>,
        %swap3A_560 = vector.shape_cast %swap3A_559 : vector<1x16xf32> to vector<16xf32>
        %swap3A_561 = vector.shape_cast %add3A_555 : vector<16xf32> to vector<1x16xf32>
        tpu.vector_store %arg10[%swap3A, %swap3A_558], %swap3A_561 {strides = array<i32>} : memref<8x128xf32, #tpu.memory_space<vmem>>, vector<1x16xf32>,
      }
      %scan3A_159 = arith.constant 32 : i32
      %min3A_160 = arith.constant 39 : i32
      %min3A_161 = arith.minsi %add3A_123, %min3A_160 : i32
      %add3A_162 = arith.addi %mul3A_2, %min3A_161 : i32
      %mul3A_163 = arith.constant 8 : i32
      %mul3A_164 = arith.muli %add3A_162, %mul3A_163 : i32
      %dma_start3A_165 = arith.constant 0 : i32
      %dma_start3A_166 = tpu.memref_slice %arg4[%mul3A_164, %dma_start3A_165] : memref<10240x128xf32, #tpu.memory_space<hbm>> -> memref<8x128xf32, #tpu.memory_space<hbm>>
      %dma_start3A_167 = arith.constant 0 : i32
      %dma_start3A_168 = tpu.memref_slice %arg4[%mul3A_164, %dma_start3A_167] : memref<10240x128xf32, #tpu.memory_space<hbm>> -> memref<8x128xf32, #tpu.memory_space<hbm>>
      tpu.enqueue_dma source(%arg10 : memref<8x128xf32, #tpu.memory_space<vmem>>) target(%dma_start3A_168 : memref<8x128xf32, #tpu.memory_space<hbm>>) target_semaphore(%arg14 : memref<!tpu.dma_semaphore, #tpu.memory_space<semaphore_mem>>)
      %add3A_169 = arith.constant 2 : i32
      %add3A_170 = arith.addi %add3A_123, %add3A_169 : i32
      %min3A_171 = arith.constant 39 : i32
      %min3A_172 = arith.minsi %add3A_170, %min3A_171 : i32
      %mul3A_173 = arith.constant 2 : i32
      %mul3A_174 = arith.muli %mul3A_173, %min3A_172 : i32
      %add3A_175 = arith.constant 0 : i32
      %add3A_176 = arith.addi %mul3A_174, %add3A_175 : i32
      %mul3A_177 = arith.constant 2 : i32
      %mul3A_178 = arith.muli %mul3A_177, %min3A_172 : i32
      %add3A_179 = arith.constant 1 : i32
      %add3A_180 = arith.addi %mul3A_178, %add3A_179 : i32
      %dma_start3A_181 = arith.constant 0 : i32
      %dma_start3A_182 = tpu.memref_slice %arg5[%add3A_176, %dma_start3A_181] : memref<80x128xi32, #tpu.memory_space<vmem>> -> memref<1x128xi32, #tpu.memory_space<vmem>>
      %dma_start3A_183 = tpu.memref_squeeze %dma_start3A_182 : memref<1x128xi32, #tpu.memory_space<vmem>> -> memref<128xi32, #tpu.memory_space<vmem>>
      %dma_start3A_184 = arith.constant 0 : i32
      %dma_start3A_185 = arith.constant 0 : i32
      %dma_start3A_186 = tpu.memref_slice %arg2[%dma_start3A_184, %dma_start3A_185] : memref<10000x128xf32, #tpu.memory_space<hbm>> -> memref<10000x128xf32, #tpu.memory_space<hbm>>
      tpu.enqueue_indirect_dma source(%dma_start3A_186 : memref<10000x128xf32, #tpu.memory_space<hbm>>) target(%arg6 : memref<128x128xf32, #tpu.memory_space<vmem>>) offsets(%dma_start3A_183 : memref<128xi32, #tpu.memory_space<vmem>>) semaphore(%arg12 : memref<!tpu.dma_semaphore, #tpu.memory_space<semaphore_mem>>)
      %dma_start3A_187 = arith.constant 0 : i32
      %dma_start3A_188 = tpu.memref_slice %arg5[%add3A_180, %dma_start3A_187] : memref<80x128xi32, #tpu.memory_space<vmem>> -> memref<1x128xi32, #tpu.memory_space<vmem>>
      %dma_start3A_189 = tpu.memref_squeeze %dma_start3A_188 : memref<1x128xi32, #tpu.memory_space<vmem>> -> memref<128xi32, #tpu.memory_space<vmem>>
      %dma_start3A_190 = arith.constant 0 : i32
      %dma_start3A_191 = arith.constant 0 : i32
      %dma_start3A_192 = tpu.memref_slice %arg2[%dma_start3A_190, %dma_start3A_191] : memref<10000x128xf32, #tpu.memory_space<hbm>> -> memref<10000x128xf32, #tpu.memory_space<hbm>>
      tpu.enqueue_indirect_dma source(%dma_start3A_192 : memref<10000x128xf32, #tpu.memory_space<hbm>>) target(%arg7 : memref<128x128xf32, #tpu.memory_space<vmem>>) offsets(%dma_start3A_189 : memref<128xi32, #tpu.memory_space<vmem>>) semaphore(%arg12 : memref<!tpu.dma_semaphore, #tpu.memory_space<semaphore_mem>>)
      %mul3A_193 = arith.constant 2 : i32
      %mul3A_194 = arith.muli %scan3A_119, %mul3A_193 : i32
      %add3A_195 = arith.constant 1 : i32
      %add3A_196 = arith.addi %mul3A_194, %add3A_195 : i32
      %min3A_197 = arith.constant 39 : i32
      %min3A_198 = arith.minsi %add3A_196, %min3A_197 : i32
      %mul3A_199 = arith.constant 2 : i32
      %mul3A_200 = arith.muli %mul3A_199, %min3A_198 : i32
      %add3A_201 = arith.constant 0 : i32
      %add3A_202 = arith.addi %mul3A_200, %add3A_201 : i32
      %mul3A_203 = arith.constant 2 : i32
      %mul3A_204 = arith.muli %mul3A_203, %min3A_198 : i32
      %add3A_205 = arith.constant 1 : i32
      %add3A_206 = arith.addi %mul3A_204, %add3A_205 : i32
      %dma_wait3A_207 = arith.constant 0 : i32
      %dma_wait3A_208 = tpu.memref_slice %arg5[%add3A_202, %dma_wait3A_207] : memref<80x128xi32, #tpu.memory_space<vmem>> -> memref<1x128xi32, #tpu.memory_space<vmem>>
      %dma_wait3A_209 = tpu.memref_squeeze %dma_wait3A_208 : memref<1x128xi32, #tpu.memory_space<vmem>> -> memref<128xi32, #tpu.memory_space<vmem>>
      %dma_wait3A_210 = arith.constant 0 : i32
      %dma_wait3A_211 = arith.constant 0 : i32
      %dma_wait3A_212 = tpu.memref_slice %arg2[%dma_wait3A_210, %dma_wait3A_211] : memref<10000x128xf32, #tpu.memory_space<hbm>> -> memref<10000x128xf32, #tpu.memory_space<hbm>>
      tpu.wait_indirect_dma semaphore(%arg13 : memref<!tpu.dma_semaphore, #tpu.memory_space<semaphore_mem>>) src(%dma_wait3A_212 : memref<10000x128xf32, #tpu.memory_space<hbm>>) dst(%arg8 : memref<128x128xf32, #tpu.memory_space<vmem>>)
      %dma_wait3A_213 = arith.constant 0 : i32
      %dma_wait3A_214 = tpu.memref_slice %arg5[%add3A_206, %dma_wait3A_213] : memref<80x128xi32, #tpu.memory_space<vmem>> -> memref<1x128xi32, #tpu.memory_space<vmem>>
      %dma_wait3A_215 = tpu.memref_squeeze %dma_wait3A_214 : memref<1x128xi32, #tpu.memory_space<vmem>> -> memref<128xi32, #tpu.memory_space<vmem>>
      %dma_wait3A_216 = arith.constant 0 : i32
      %dma_wait3A_217 = arith.constant 0 : i32
      %dma_wait3A_218 = tpu.memref_slice %arg2[%dma_wait3A_216, %dma_wait3A_217] : memref<10000x128xf32, #tpu.memory_space<hbm>> -> memref<10000x128xf32, #tpu.memory_space<hbm>>
      tpu.wait_indirect_dma semaphore(%arg13 : memref<!tpu.dma_semaphore, #tpu.memory_space<semaphore_mem>>) src(%dma_wait3A_218 : memref<10000x128xf32, #tpu.memory_space<hbm>>) dst(%arg9 : memref<128x128xf32, #tpu.memory_space<vmem>>)
      %gt3A_219 = arith.constant 0 : i32
      %gt3A_220 = arith.cmpi sgt, %scan3A_119, %gt3A_219 : i32
      %convert_element_type3A_221 = arith.extui %gt3A_220 : i1 to i32
      %cond3A_222 = arith.constant 0 : i32
      %cond3A_223 = arith.cmpi ne, %convert_element_type3A_221, %cond3A_222 : i32
      scf.if %cond3A_223 {
        %sub3A = arith.constant 2 : i32
        %sub3A_269 = arith.subi %add3A_196, %sub3A : i32
        %min3A_270 = arith.constant 39 : i32
        %min3A_271 = arith.minsi %sub3A_269, %min3A_270 : i32
        %add3A_272 = arith.addi %mul3A_2, %min3A_271 : i32
        %mul3A_273 = arith.constant 8 : i32
        %mul3A_274 = arith.muli %add3A_272, %mul3A_273 : i32
        %dma_wait3A_275 = arith.constant 0 : i32
        %dma_wait3A_276 = tpu.memref_slice %arg4[%mul3A_274, %dma_wait3A_275] : memref<10240x128xf32, #tpu.memory_space<hbm>> -> memref<8x128xf32, #tpu.memory_space<hbm>>
        %dma_wait3A_277 = arith.constant 0 : i32
        %dma_wait3A_278 = tpu.memref_slice %arg4[%mul3A_274, %dma_wait3A_277] : memref<10240x128xf32, #tpu.memory_space<hbm>> -> memref<8x128xf32, #tpu.memory_space<hbm>>
        tpu.wait_dma2 semaphore(%arg15 : memref<!tpu.dma_semaphore, #tpu.memory_space<semaphore_mem>>) src(%arg11 : memref<8x128xf32, #tpu.memory_space<vmem>>) dst(%dma_wait3A_278 : memref<8x128xf32, #tpu.memory_space<hbm>>)
      } else {
      }
      %scan3A_224 = arith.constant 0 : i32
      %scan3A_225 = arith.constant 0 : i32
      %scan3A_226 = arith.constant 32 : i32
      %scan3A_227 = arith.addi %scan3A_225, %scan3A_226 : i32
      %scan3A_228 = arith.constant 1 : i32
      scf.for %scan3A_269 = %scan3A_225 to %scan3A_227 step %scan3A_228  : i32 {
        %jit3A = arith.constant 8 : i32
        %div3A = arith.divsi %scan3A_269, %jit3A : i32
        %sign3A = arith.constant 0 : i32
        %sign3A_270 = arith.cmpi sgt, %scan3A_269, %sign3A : i32
        %sign3A_271 = arith.extui %sign3A_270 : i1 to i32
        %sign3A_272 = arith.constant 0 : i32
        %sign3A_273 = arith.cmpi slt, %scan3A_269, %sign3A_272 : i32
        %sign3A_274 = arith.extui %sign3A_273 : i1 to i32
        %sign3A_275 = arith.subi %sign3A_271, %sign3A_274 : i32
        %sign3A_276 = arith.constant 0 : i32
        %sign3A_277 = arith.cmpi sgt, %jit3A, %sign3A_276 : i32
        %sign3A_278 = arith.extui %sign3A_277 : i1 to i32
        %sign3A_279 = arith.constant 0 : i32
        %sign3A_280 = arith.cmpi slt, %jit3A, %sign3A_279 : i32
        %sign3A_281 = arith.extui %sign3A_280 : i1 to i32
        %sign3A_282 = arith.subi %sign3A_278, %sign3A_281 : i32
        %ne3A = arith.cmpi ne, %sign3A_275, %sign3A_282 : i32
        %rem3A = arith.remsi %scan3A_269, %jit3A : i32
        %ne3A_283 = arith.constant 0 : i32
        %ne3A_284 = arith.cmpi ne, %rem3A, %ne3A_283 : i32
        %and3A = arith.andi %ne3A, %ne3A_284 : i1
        %sub3A = arith.constant 1 : i32
        %sub3A_285 = arith.subi %div3A, %sub3A : i32
        %select_n3A = arith.select %and3A, %sub3A_285, %div3A : i32
        %jit3A_286 = arith.constant 8 : i32
        %eq3A = arith.constant 0 : i32
        %eq3A_287 = arith.cmpi eq, %jit3A_286, %eq3A : i32
        %jit3A_288 = arith.constant 1 : i32
        %select_n3A_289 = arith.select %eq3A_287, %jit3A_288, %jit3A_286 : i32
        %rem3A_290 = arith.remsi %scan3A_269, %select_n3A_289 : i32
        %ne3A_291 = arith.constant 0 : i32
        %ne3A_292 = arith.cmpi ne, %rem3A_290, %ne3A_291 : i32
        %lt3A = arith.constant 0 : i32
        %lt3A_293 = arith.cmpi slt, %rem3A_290, %lt3A : i32
        %lt3A_294 = arith.constant 0 : i32
        %lt3A_295 = arith.cmpi slt, %select_n3A_289, %lt3A_294 : i32
        %ne3A_296 = arith.xori %lt3A_293, %lt3A_295 : i1
        %and3A_297 = arith.andi %ne3A_296, %ne3A_292 : i1
        %add3A_298 = arith.addi %rem3A_290, %select_n3A_289 : i32
        %select_n3A_299 = arith.select %and3A_297, %add3A_298, %rem3A_290 : i32
        %mul3A_300 = arith.constant 16 : i32
        %mul3A_301 = arith.muli %select_n3A_299, %mul3A_300 : i32
        %mul3A_302 = arith.constant 32 : i32
        %mul3A_303 = arith.muli %select_n3A, %mul3A_302 : i32
        %add3A_304 = arith.constant 0 : i32
        %add3A_305 = arith.addi %mul3A_303, %add3A_304 : i32
        %get3A = arith.index_cast %add3A_305 : i32 to index
        %get3A_306 = arith.index_cast %mul3A_301 : i32 to index
        %get3A_307 = tpu.vector_load %arg8[%get3A, %get3A_306] {strides = array<i32>} : memref<128x128xf32, #tpu.memory_space<vmem>>, vector<1x16xf32>,
        %get3A_308 = vector.shape_cast %get3A_307 : vector<1x16xf32> to vector<16xf32>
        %add3A_309 = arith.constant 1 : i32
        %add3A_310 = arith.addi %mul3A_303, %add3A_309 : i32
        %get3A_311 = arith.index_cast %add3A_310 : i32 to index
        %get3A_312 = arith.index_cast %mul3A_301 : i32 to index
        %get3A_313 = tpu.vector_load %arg8[%get3A_311, %get3A_312] {strides = array<i32>} : memref<128x128xf32, #tpu.memory_space<vmem>>, vector<1x16xf32>,
        %get3A_314 = vector.shape_cast %get3A_313 : vector<1x16xf32> to vector<16xf32>
        %add3A_315 = arith.constant 2 : i32
        %add3A_316 = arith.addi %mul3A_303, %add3A_315 : i32
        %get3A_317 = arith.index_cast %add3A_316 : i32 to index
        %get3A_318 = arith.index_cast %mul3A_301 : i32 to index
        %get3A_319 = tpu.vector_load %arg8[%get3A_317, %get3A_318] {strides = array<i32>} : memref<128x128xf32, #tpu.memory_space<vmem>>, vector<1x16xf32>,
        %get3A_320 = vector.shape_cast %get3A_319 : vector<1x16xf32> to vector<16xf32>
        %add3A_321 = arith.addf %get3A_308, %get3A_320 : vector<16xf32>
        %add3A_322 = arith.constant 2 : i32
        %add3A_323 = arith.addi %mul3A_303, %add3A_322 : i32
        %add3A_324 = arith.constant 1 : i32
        %add3A_325 = arith.addi %add3A_323, %add3A_324 : i32
        %get3A_326 = arith.index_cast %add3A_325 : i32 to index
        %get3A_327 = arith.index_cast %mul3A_301 : i32 to index
        %get3A_328 = tpu.vector_load %arg8[%get3A_326, %get3A_327] {strides = array<i32>} : memref<128x128xf32, #tpu.memory_space<vmem>>, vector<1x16xf32>,
        %get3A_329 = vector.shape_cast %get3A_328 : vector<1x16xf32> to vector<16xf32>
        %add3A_330 = arith.addf %get3A_314, %get3A_329 : vector<16xf32>
        %add3A_331 = arith.constant 4 : i32
        %add3A_332 = arith.addi %mul3A_303, %add3A_331 : i32
        %get3A_333 = arith.index_cast %add3A_332 : i32 to index
        %get3A_334 = arith.index_cast %mul3A_301 : i32 to index
        %get3A_335 = tpu.vector_load %arg8[%get3A_333, %get3A_334] {strides = array<i32>} : memref<128x128xf32, #tpu.memory_space<vmem>>, vector<1x16xf32>,
        %get3A_336 = vector.shape_cast %get3A_335 : vector<1x16xf32> to vector<16xf32>
        %add3A_337 = arith.addf %add3A_321, %get3A_336 : vector<16xf32>
        %add3A_338 = arith.constant 4 : i32
        %add3A_339 = arith.addi %mul3A_303, %add3A_338 : i32
        %add3A_340 = arith.constant 1 : i32
        %add3A_341 = arith.addi %add3A_339, %add3A_340 : i32
        %get3A_342 = arith.index_cast %add3A_341 : i32 to index
        %get3A_343 = arith.index_cast %mul3A_301 : i32 to index
        %get3A_344 = tpu.vector_load %arg8[%get3A_342, %get3A_343] {strides = array<i32>} : memref<128x128xf32, #tpu.memory_space<vmem>>, vector<1x16xf32>,
        %get3A_345 = vector.shape_cast %get3A_344 : vector<1x16xf32> to vector<16xf32>
        %add3A_346 = arith.addf %add3A_330, %get3A_345 : vector<16xf32>
        %add3A_347 = arith.constant 6 : i32
        %add3A_348 = arith.addi %mul3A_303, %add3A_347 : i32
        %get3A_349 = arith.index_cast %add3A_348 : i32 to index
        %get3A_350 = arith.index_cast %mul3A_301 : i32 to index
        %get3A_351 = tpu.vector_load %arg8[%get3A_349, %get3A_350] {strides = array<i32>} : memref<128x128xf32, #tpu.memory_space<vmem>>, vector<1x16xf32>,
        %get3A_352 = vector.shape_cast %get3A_351 : vector<1x16xf32> to vector<16xf32>
        %add3A_353 = arith.addf %add3A_337, %get3A_352 : vector<16xf32>
        %add3A_354 = arith.constant 6 : i32
        %add3A_355 = arith.addi %mul3A_303, %add3A_354 : i32
        %add3A_356 = arith.constant 1 : i32
        %add3A_357 = arith.addi %add3A_355, %add3A_356 : i32
        %get3A_358 = arith.index_cast %add3A_357 : i32 to index
        %get3A_359 = arith.index_cast %mul3A_301 : i32 to index
        %get3A_360 = tpu.vector_load %arg8[%get3A_358, %get3A_359] {strides = array<i32>} : memref<128x128xf32, #tpu.memory_space<vmem>>, vector<1x16xf32>,
        %get3A_361 = vector.shape_cast %get3A_360 : vector<1x16xf32> to vector<16xf32>
        %add3A_362 = arith.addf %add3A_346, %get3A_361 : vector<16xf32>
        %add3A_363 = arith.constant 8 : i32
        %add3A_364 = arith.addi %mul3A_303, %add3A_363 : i32
        %get3A_365 = arith.index_cast %add3A_364 : i32 to index
        %get3A_366 = arith.index_cast %mul3A_301 : i32 to index
        %get3A_367 = tpu.vector_load %arg8[%get3A_365, %get3A_366] {strides = array<i32>} : memref<128x128xf32, #tpu.memory_space<vmem>>, vector<1x16xf32>,
        %get3A_368 = vector.shape_cast %get3A_367 : vector<1x16xf32> to vector<16xf32>
        %add3A_369 = arith.addf %add3A_353, %get3A_368 : vector<16xf32>
        %add3A_370 = arith.constant 8 : i32
        %add3A_371 = arith.addi %mul3A_303, %add3A_370 : i32
        %add3A_372 = arith.constant 1 : i32
        %add3A_373 = arith.addi %add3A_371, %add3A_372 : i32
        %get3A_374 = arith.index_cast %add3A_373 : i32 to index
        %get3A_375 = arith.index_cast %mul3A_301 : i32 to index
        %get3A_376 = tpu.vector_load %arg8[%get3A_374, %get3A_375] {strides = array<i32>} : memref<128x128xf32, #tpu.memory_space<vmem>>, vector<1x16xf32>,
        %get3A_377 = vector.shape_cast %get3A_376 : vector<1x16xf32> to vector<16xf32>
        %add3A_378 = arith.addf %add3A_362, %get3A_377 : vector<16xf32>
        %add3A_379 = arith.constant 10 : i32
        %add3A_380 = arith.addi %mul3A_303, %add3A_379 : i32
        %get3A_381 = arith.index_cast %add3A_380 : i32 to index
        %get3A_382 = arith.index_cast %mul3A_301 : i32 to index
        %get3A_383 = tpu.vector_load %arg8[%get3A_381, %get3A_382] {strides = array<i32>} : memref<128x128xf32, #tpu.memory_space<vmem>>, vector<1x16xf32>,
        %get3A_384 = vector.shape_cast %get3A_383 : vector<1x16xf32> to vector<16xf32>
        %add3A_385 = arith.addf %add3A_369, %get3A_384 : vector<16xf32>
        %add3A_386 = arith.constant 10 : i32
        %add3A_387 = arith.addi %mul3A_303, %add3A_386 : i32
        %add3A_388 = arith.constant 1 : i32
        %add3A_389 = arith.addi %add3A_387, %add3A_388 : i32
        %get3A_390 = arith.index_cast %add3A_389 : i32 to index
        %get3A_391 = arith.index_cast %mul3A_301 : i32 to index
        %get3A_392 = tpu.vector_load %arg8[%get3A_390, %get3A_391] {strides = array<i32>} : memref<128x128xf32, #tpu.memory_space<vmem>>, vector<1x16xf32>,
        %get3A_393 = vector.shape_cast %get3A_392 : vector<1x16xf32> to vector<16xf32>
        %add3A_394 = arith.addf %add3A_378, %get3A_393 : vector<16xf32>
        %add3A_395 = arith.constant 12 : i32
        %add3A_396 = arith.addi %mul3A_303, %add3A_395 : i32
        %get3A_397 = arith.index_cast %add3A_396 : i32 to index
        %get3A_398 = arith.index_cast %mul3A_301 : i32 to index
        %get3A_399 = tpu.vector_load %arg8[%get3A_397, %get3A_398] {strides = array<i32>} : memref<128x128xf32, #tpu.memory_space<vmem>>, vector<1x16xf32>,
        %get3A_400 = vector.shape_cast %get3A_399 : vector<1x16xf32> to vector<16xf32>
        %add3A_401 = arith.addf %add3A_385, %get3A_400 : vector<16xf32>
        %add3A_402 = arith.constant 12 : i32
        %add3A_403 = arith.addi %mul3A_303, %add3A_402 : i32
        %add3A_404 = arith.constant 1 : i32
        %add3A_405 = arith.addi %add3A_403, %add3A_404 : i32
        %get3A_406 = arith.index_cast %add3A_405 : i32 to index
        %get3A_407 = arith.index_cast %mul3A_301 : i32 to index
        %get3A_408 = tpu.vector_load %arg8[%get3A_406, %get3A_407] {strides = array<i32>} : memref<128x128xf32, #tpu.memory_space<vmem>>, vector<1x16xf32>,
        %get3A_409 = vector.shape_cast %get3A_408 : vector<1x16xf32> to vector<16xf32>
        %add3A_410 = arith.addf %add3A_394, %get3A_409 : vector<16xf32>
        %add3A_411 = arith.constant 14 : i32
        %add3A_412 = arith.addi %mul3A_303, %add3A_411 : i32
        %get3A_413 = arith.index_cast %add3A_412 : i32 to index
        %get3A_414 = arith.index_cast %mul3A_301 : i32 to index
        %get3A_415 = tpu.vector_load %arg8[%get3A_413, %get3A_414] {strides = array<i32>} : memref<128x128xf32, #tpu.memory_space<vmem>>, vector<1x16xf32>,
        %get3A_416 = vector.shape_cast %get3A_415 : vector<1x16xf32> to vector<16xf32>
        %add3A_417 = arith.addf %add3A_401, %get3A_416 : vector<16xf32>
        %add3A_418 = arith.constant 14 : i32
        %add3A_419 = arith.addi %mul3A_303, %add3A_418 : i32
        %add3A_420 = arith.constant 1 : i32
        %add3A_421 = arith.addi %add3A_419, %add3A_420 : i32
        %get3A_422 = arith.index_cast %add3A_421 : i32 to index
        %get3A_423 = arith.index_cast %mul3A_301 : i32 to index
        %get3A_424 = tpu.vector_load %arg8[%get3A_422, %get3A_423] {strides = array<i32>} : memref<128x128xf32, #tpu.memory_space<vmem>>, vector<1x16xf32>,
        %get3A_425 = vector.shape_cast %get3A_424 : vector<1x16xf32> to vector<16xf32>
        %add3A_426 = arith.addf %add3A_410, %get3A_425 : vector<16xf32>
        %add3A_427 = arith.constant 16 : i32
        %add3A_428 = arith.addi %mul3A_303, %add3A_427 : i32
        %get3A_429 = arith.index_cast %add3A_428 : i32 to index
        %get3A_430 = arith.index_cast %mul3A_301 : i32 to index
        %get3A_431 = tpu.vector_load %arg8[%get3A_429, %get3A_430] {strides = array<i32>} : memref<128x128xf32, #tpu.memory_space<vmem>>, vector<1x16xf32>,
        %get3A_432 = vector.shape_cast %get3A_431 : vector<1x16xf32> to vector<16xf32>
        %add3A_433 = arith.addf %add3A_417, %get3A_432 : vector<16xf32>
        %add3A_434 = arith.constant 16 : i32
        %add3A_435 = arith.addi %mul3A_303, %add3A_434 : i32
        %add3A_436 = arith.constant 1 : i32
        %add3A_437 = arith.addi %add3A_435, %add3A_436 : i32
        %get3A_438 = arith.index_cast %add3A_437 : i32 to index
        %get3A_439 = arith.index_cast %mul3A_301 : i32 to index
        %get3A_440 = tpu.vector_load %arg8[%get3A_438, %get3A_439] {strides = array<i32>} : memref<128x128xf32, #tpu.memory_space<vmem>>, vector<1x16xf32>,
        %get3A_441 = vector.shape_cast %get3A_440 : vector<1x16xf32> to vector<16xf32>
        %add3A_442 = arith.addf %add3A_426, %get3A_441 : vector<16xf32>
        %add3A_443 = arith.constant 18 : i32
        %add3A_444 = arith.addi %mul3A_303, %add3A_443 : i32
        %get3A_445 = arith.index_cast %add3A_444 : i32 to index
        %get3A_446 = arith.index_cast %mul3A_301 : i32 to index
        %get3A_447 = tpu.vector_load %arg8[%get3A_445, %get3A_446] {strides = array<i32>} : memref<128x128xf32, #tpu.memory_space<vmem>>, vector<1x16xf32>,
        %get3A_448 = vector.shape_cast %get3A_447 : vector<1x16xf32> to vector<16xf32>
        %add3A_449 = arith.addf %add3A_433, %get3A_448 : vector<16xf32>
        %add3A_450 = arith.constant 18 : i32
        %add3A_451 = arith.addi %mul3A_303, %add3A_450 : i32
        %add3A_452 = arith.constant 1 : i32
        %add3A_453 = arith.addi %add3A_451, %add3A_452 : i32
        %get3A_454 = arith.index_cast %add3A_453 : i32 to index
        %get3A_455 = arith.index_cast %mul3A_301 : i32 to index
        %get3A_456 = tpu.vector_load %arg8[%get3A_454, %get3A_455] {strides = array<i32>} : memref<128x128xf32, #tpu.memory_space<vmem>>, vector<1x16xf32>,
        %get3A_457 = vector.shape_cast %get3A_456 : vector<1x16xf32> to vector<16xf32>
        %add3A_458 = arith.addf %add3A_442, %get3A_457 : vector<16xf32>
        %add3A_459 = arith.constant 20 : i32
        %add3A_460 = arith.addi %mul3A_303, %add3A_459 : i32
        %get3A_461 = arith.index_cast %add3A_460 : i32 to index
        %get3A_462 = arith.index_cast %mul3A_301 : i32 to index
        %get3A_463 = tpu.vector_load %arg8[%get3A_461, %get3A_462] {strides = array<i32>} : memref<128x128xf32, #tpu.memory_space<vmem>>, vector<1x16xf32>,
        %get3A_464 = vector.shape_cast %get3A_463 : vector<1x16xf32> to vector<16xf32>
        %add3A_465 = arith.addf %add3A_449, %get3A_464 : vector<16xf32>
        %add3A_466 = arith.constant 20 : i32
        %add3A_467 = arith.addi %mul3A_303, %add3A_466 : i32
        %add3A_468 = arith.constant 1 : i32
        %add3A_469 = arith.addi %add3A_467, %add3A_468 : i32
        %get3A_470 = arith.index_cast %add3A_469 : i32 to index
        %get3A_471 = arith.index_cast %mul3A_301 : i32 to index
        %get3A_472 = tpu.vector_load %arg8[%get3A_470, %get3A_471] {strides = array<i32>} : memref<128x128xf32, #tpu.memory_space<vmem>>, vector<1x16xf32>,
        %get3A_473 = vector.shape_cast %get3A_472 : vector<1x16xf32> to vector<16xf32>
        %add3A_474 = arith.addf %add3A_458, %get3A_473 : vector<16xf32>
        %add3A_475 = arith.constant 22 : i32
        %add3A_476 = arith.addi %mul3A_303, %add3A_475 : i32
        %get3A_477 = arith.index_cast %add3A_476 : i32 to index
        %get3A_478 = arith.index_cast %mul3A_301 : i32 to index
        %get3A_479 = tpu.vector_load %arg8[%get3A_477, %get3A_478] {strides = array<i32>} : memref<128x128xf32, #tpu.memory_space<vmem>>, vector<1x16xf32>,
        %get3A_480 = vector.shape_cast %get3A_479 : vector<1x16xf32> to vector<16xf32>
        %add3A_481 = arith.addf %add3A_465, %get3A_480 : vector<16xf32>
        %add3A_482 = arith.constant 22 : i32
        %add3A_483 = arith.addi %mul3A_303, %add3A_482 : i32
        %add3A_484 = arith.constant 1 : i32
        %add3A_485 = arith.addi %add3A_483, %add3A_484 : i32
        %get3A_486 = arith.index_cast %add3A_485 : i32 to index
        %get3A_487 = arith.index_cast %mul3A_301 : i32 to index
        %get3A_488 = tpu.vector_load %arg8[%get3A_486, %get3A_487] {strides = array<i32>} : memref<128x128xf32, #tpu.memory_space<vmem>>, vector<1x16xf32>,
        %get3A_489 = vector.shape_cast %get3A_488 : vector<1x16xf32> to vector<16xf32>
        %add3A_490 = arith.addf %add3A_474, %get3A_489 : vector<16xf32>
        %add3A_491 = arith.constant 24 : i32
        %add3A_492 = arith.addi %mul3A_303, %add3A_491 : i32
        %get3A_493 = arith.index_cast %add3A_492 : i32 to index
        %get3A_494 = arith.index_cast %mul3A_301 : i32 to index
        %get3A_495 = tpu.vector_load %arg8[%get3A_493, %get3A_494] {strides = array<i32>} : memref<128x128xf32, #tpu.memory_space<vmem>>, vector<1x16xf32>,
        %get3A_496 = vector.shape_cast %get3A_495 : vector<1x16xf32> to vector<16xf32>
        %add3A_497 = arith.addf %add3A_481, %get3A_496 : vector<16xf32>
        %add3A_498 = arith.constant 24 : i32
        %add3A_499 = arith.addi %mul3A_303, %add3A_498 : i32
        %add3A_500 = arith.constant 1 : i32
        %add3A_501 = arith.addi %add3A_499, %add3A_500 : i32
        %get3A_502 = arith.index_cast %add3A_501 : i32 to index
        %get3A_503 = arith.index_cast %mul3A_301 : i32 to index
        %get3A_504 = tpu.vector_load %arg8[%get3A_502, %get3A_503] {strides = array<i32>} : memref<128x128xf32, #tpu.memory_space<vmem>>, vector<1x16xf32>,
        %get3A_505 = vector.shape_cast %get3A_504 : vector<1x16xf32> to vector<16xf32>
        %add3A_506 = arith.addf %add3A_490, %get3A_505 : vector<16xf32>
        %add3A_507 = arith.constant 26 : i32
        %add3A_508 = arith.addi %mul3A_303, %add3A_507 : i32
        %get3A_509 = arith.index_cast %add3A_508 : i32 to index
        %get3A_510 = arith.index_cast %mul3A_301 : i32 to index
        %get3A_511 = tpu.vector_load %arg8[%get3A_509, %get3A_510] {strides = array<i32>} : memref<128x128xf32, #tpu.memory_space<vmem>>, vector<1x16xf32>,
        %get3A_512 = vector.shape_cast %get3A_511 : vector<1x16xf32> to vector<16xf32>
        %add3A_513 = arith.addf %add3A_497, %get3A_512 : vector<16xf32>
        %add3A_514 = arith.constant 26 : i32
        %add3A_515 = arith.addi %mul3A_303, %add3A_514 : i32
        %add3A_516 = arith.constant 1 : i32
        %add3A_517 = arith.addi %add3A_515, %add3A_516 : i32
        %get3A_518 = arith.index_cast %add3A_517 : i32 to index
        %get3A_519 = arith.index_cast %mul3A_301 : i32 to index
        %get3A_520 = tpu.vector_load %arg8[%get3A_518, %get3A_519] {strides = array<i32>} : memref<128x128xf32, #tpu.memory_space<vmem>>, vector<1x16xf32>,
        %get3A_521 = vector.shape_cast %get3A_520 : vector<1x16xf32> to vector<16xf32>
        %add3A_522 = arith.addf %add3A_506, %get3A_521 : vector<16xf32>
        %add3A_523 = arith.constant 28 : i32
        %add3A_524 = arith.addi %mul3A_303, %add3A_523 : i32
        %get3A_525 = arith.index_cast %add3A_524 : i32 to index
        %get3A_526 = arith.index_cast %mul3A_301 : i32 to index
        %get3A_527 = tpu.vector_load %arg8[%get3A_525, %get3A_526] {strides = array<i32>} : memref<128x128xf32, #tpu.memory_space<vmem>>, vector<1x16xf32>,
        %get3A_528 = vector.shape_cast %get3A_527 : vector<1x16xf32> to vector<16xf32>
        %add3A_529 = arith.addf %add3A_513, %get3A_528 : vector<16xf32>
        %add3A_530 = arith.constant 28 : i32
        %add3A_531 = arith.addi %mul3A_303, %add3A_530 : i32
        %add3A_532 = arith.constant 1 : i32
        %add3A_533 = arith.addi %add3A_531, %add3A_532 : i32
        %get3A_534 = arith.index_cast %add3A_533 : i32 to index
        %get3A_535 = arith.index_cast %mul3A_301 : i32 to index
        %get3A_536 = tpu.vector_load %arg8[%get3A_534, %get3A_535] {strides = array<i32>} : memref<128x128xf32, #tpu.memory_space<vmem>>, vector<1x16xf32>,
        %get3A_537 = vector.shape_cast %get3A_536 : vector<1x16xf32> to vector<16xf32>
        %add3A_538 = arith.addf %add3A_522, %get3A_537 : vector<16xf32>
        %add3A_539 = arith.constant 30 : i32
        %add3A_540 = arith.addi %mul3A_303, %add3A_539 : i32
        %get3A_541 = arith.index_cast %add3A_540 : i32 to index
        %get3A_542 = arith.index_cast %mul3A_301 : i32 to index
        %get3A_543 = tpu.vector_load %arg8[%get3A_541, %get3A_542] {strides = array<i32>} : memref<128x128xf32, #tpu.memory_space<vmem>>, vector<1x16xf32>,
        %get3A_544 = vector.shape_cast %get3A_543 : vector<1x16xf32> to vector<16xf32>
        %add3A_545 = arith.addf %add3A_529, %get3A_544 : vector<16xf32>
        %add3A_546 = arith.constant 30 : i32
        %add3A_547 = arith.addi %mul3A_303, %add3A_546 : i32
        %add3A_548 = arith.constant 1 : i32
        %add3A_549 = arith.addi %add3A_547, %add3A_548 : i32
        %get3A_550 = arith.index_cast %add3A_549 : i32 to index
        %get3A_551 = arith.index_cast %mul3A_301 : i32 to index
        %get3A_552 = tpu.vector_load %arg8[%get3A_550, %get3A_551] {strides = array<i32>} : memref<128x128xf32, #tpu.memory_space<vmem>>, vector<1x16xf32>,
        %get3A_553 = vector.shape_cast %get3A_552 : vector<1x16xf32> to vector<16xf32>
        %add3A_554 = arith.addf %add3A_538, %get3A_553 : vector<16xf32>
        %add3A_555 = arith.addf %add3A_545, %add3A_554 : vector<16xf32>
        %add3A_556 = arith.constant 0 : i32
        %add3A_557 = arith.addi %add3A_556, %select_n3A : i32
        %swap3A = arith.index_cast %add3A_557 : i32 to index
        %swap3A_558 = arith.index_cast %mul3A_301 : i32 to index
        %swap3A_559 = tpu.vector_load %arg11[%swap3A, %swap3A_558] {strides = array<i32>} : memref<8x128xf32, #tpu.memory_space<vmem>>, vector<1x16xf32>,
        %swap3A_560 = vector.shape_cast %swap3A_559 : vector<1x16xf32> to vector<16xf32>
        %swap3A_561 = vector.shape_cast %add3A_555 : vector<16xf32> to vector<1x16xf32>
        tpu.vector_store %arg11[%swap3A, %swap3A_558], %swap3A_561 {strides = array<i32>} : memref<8x128xf32, #tpu.memory_space<vmem>>, vector<1x16xf32>,
      }
      %scan3A_229 = arith.constant 32 : i32
      %scan3A_230 = arith.constant 0 : i32
      %scan3A_231 = arith.constant 0 : i32
      %scan3A_232 = arith.constant 32 : i32
      %scan3A_233 = arith.addi %scan3A_231, %scan3A_232 : i32
      %scan3A_234 = arith.constant 1 : i32
      scf.for %scan3A_269 = %scan3A_231 to %scan3A_233 step %scan3A_234  : i32 {
        %jit3A = arith.constant 8 : i32
        %div3A = arith.divsi %scan3A_269, %jit3A : i32
        %sign3A = arith.constant 0 : i32
        %sign3A_270 = arith.cmpi sgt, %scan3A_269, %sign3A : i32
        %sign3A_271 = arith.extui %sign3A_270 : i1 to i32
        %sign3A_272 = arith.constant 0 : i32
        %sign3A_273 = arith.cmpi slt, %scan3A_269, %sign3A_272 : i32
        %sign3A_274 = arith.extui %sign3A_273 : i1 to i32
        %sign3A_275 = arith.subi %sign3A_271, %sign3A_274 : i32
        %sign3A_276 = arith.constant 0 : i32
        %sign3A_277 = arith.cmpi sgt, %jit3A, %sign3A_276 : i32
        %sign3A_278 = arith.extui %sign3A_277 : i1 to i32
        %sign3A_279 = arith.constant 0 : i32
        %sign3A_280 = arith.cmpi slt, %jit3A, %sign3A_279 : i32
        %sign3A_281 = arith.extui %sign3A_280 : i1 to i32
        %sign3A_282 = arith.subi %sign3A_278, %sign3A_281 : i32
        %ne3A = arith.cmpi ne, %sign3A_275, %sign3A_282 : i32
        %rem3A = arith.remsi %scan3A_269, %jit3A : i32
        %ne3A_283 = arith.constant 0 : i32
        %ne3A_284 = arith.cmpi ne, %rem3A, %ne3A_283 : i32
        %and3A = arith.andi %ne3A, %ne3A_284 : i1
        %sub3A = arith.constant 1 : i32
        %sub3A_285 = arith.subi %div3A, %sub3A : i32
        %select_n3A = arith.select %and3A, %sub3A_285, %div3A : i32
        %jit3A_286 = arith.constant 8 : i32
        %eq3A = arith.constant 0 : i32
        %eq3A_287 = arith.cmpi eq, %jit3A_286, %eq3A : i32
        %jit3A_288 = arith.constant 1 : i32
        %select_n3A_289 = arith.select %eq3A_287, %jit3A_288, %jit3A_286 : i32
        %rem3A_290 = arith.remsi %scan3A_269, %select_n3A_289 : i32
        %ne3A_291 = arith.constant 0 : i32
        %ne3A_292 = arith.cmpi ne, %rem3A_290, %ne3A_291 : i32
        %lt3A = arith.constant 0 : i32
        %lt3A_293 = arith.cmpi slt, %rem3A_290, %lt3A : i32
        %lt3A_294 = arith.constant 0 : i32
        %lt3A_295 = arith.cmpi slt, %select_n3A_289, %lt3A_294 : i32
        %ne3A_296 = arith.xori %lt3A_293, %lt3A_295 : i1
        %and3A_297 = arith.andi %ne3A_296, %ne3A_292 : i1
        %add3A_298 = arith.addi %rem3A_290, %select_n3A_289 : i32
        %select_n3A_299 = arith.select %and3A_297, %add3A_298, %rem3A_290 : i32
        %mul3A_300 = arith.constant 16 : i32
        %mul3A_301 = arith.muli %select_n3A_299, %mul3A_300 : i32
        %mul3A_302 = arith.constant 32 : i32
        %mul3A_303 = arith.muli %select_n3A, %mul3A_302 : i32
        %add3A_304 = arith.constant 0 : i32
        %add3A_305 = arith.addi %mul3A_303, %add3A_304 : i32
        %get3A = arith.index_cast %add3A_305 : i32 to index
        %get3A_306 = arith.index_cast %mul3A_301 : i32 to index
        %get3A_307 = tpu.vector_load %arg9[%get3A, %get3A_306] {strides = array<i32>} : memref<128x128xf32, #tpu.memory_space<vmem>>, vector<1x16xf32>,
        %get3A_308 = vector.shape_cast %get3A_307 : vector<1x16xf32> to vector<16xf32>
        %add3A_309 = arith.constant 1 : i32
        %add3A_310 = arith.addi %mul3A_303, %add3A_309 : i32
        %get3A_311 = arith.index_cast %add3A_310 : i32 to index
        %get3A_312 = arith.index_cast %mul3A_301 : i32 to index
        %get3A_313 = tpu.vector_load %arg9[%get3A_311, %get3A_312] {strides = array<i32>} : memref<128x128xf32, #tpu.memory_space<vmem>>, vector<1x16xf32>,
        %get3A_314 = vector.shape_cast %get3A_313 : vector<1x16xf32> to vector<16xf32>
        %add3A_315 = arith.constant 2 : i32
        %add3A_316 = arith.addi %mul3A_303, %add3A_315 : i32
        %get3A_317 = arith.index_cast %add3A_316 : i32 to index
        %get3A_318 = arith.index_cast %mul3A_301 : i32 to index
        %get3A_319 = tpu.vector_load %arg9[%get3A_317, %get3A_318] {strides = array<i32>} : memref<128x128xf32, #tpu.memory_space<vmem>>, vector<1x16xf32>,
        %get3A_320 = vector.shape_cast %get3A_319 : vector<1x16xf32> to vector<16xf32>
        %add3A_321 = arith.addf %get3A_308, %get3A_320 : vector<16xf32>
        %add3A_322 = arith.constant 2 : i32
        %add3A_323 = arith.addi %mul3A_303, %add3A_322 : i32
        %add3A_324 = arith.constant 1 : i32
        %add3A_325 = arith.addi %add3A_323, %add3A_324 : i32
        %get3A_326 = arith.index_cast %add3A_325 : i32 to index
        %get3A_327 = arith.index_cast %mul3A_301 : i32 to index
        %get3A_328 = tpu.vector_load %arg9[%get3A_326, %get3A_327] {strides = array<i32>} : memref<128x128xf32, #tpu.memory_space<vmem>>, vector<1x16xf32>,
        %get3A_329 = vector.shape_cast %get3A_328 : vector<1x16xf32> to vector<16xf32>
        %add3A_330 = arith.addf %get3A_314, %get3A_329 : vector<16xf32>
        %add3A_331 = arith.constant 4 : i32
        %add3A_332 = arith.addi %mul3A_303, %add3A_331 : i32
        %get3A_333 = arith.index_cast %add3A_332 : i32 to index
        %get3A_334 = arith.index_cast %mul3A_301 : i32 to index
        %get3A_335 = tpu.vector_load %arg9[%get3A_333, %get3A_334] {strides = array<i32>} : memref<128x128xf32, #tpu.memory_space<vmem>>, vector<1x16xf32>,
        %get3A_336 = vector.shape_cast %get3A_335 : vector<1x16xf32> to vector<16xf32>
        %add3A_337 = arith.addf %add3A_321, %get3A_336 : vector<16xf32>
        %add3A_338 = arith.constant 4 : i32
        %add3A_339 = arith.addi %mul3A_303, %add3A_338 : i32
        %add3A_340 = arith.constant 1 : i32
        %add3A_341 = arith.addi %add3A_339, %add3A_340 : i32
        %get3A_342 = arith.index_cast %add3A_341 : i32 to index
        %get3A_343 = arith.index_cast %mul3A_301 : i32 to index
        %get3A_344 = tpu.vector_load %arg9[%get3A_342, %get3A_343] {strides = array<i32>} : memref<128x128xf32, #tpu.memory_space<vmem>>, vector<1x16xf32>,
        %get3A_345 = vector.shape_cast %get3A_344 : vector<1x16xf32> to vector<16xf32>
        %add3A_346 = arith.addf %add3A_330, %get3A_345 : vector<16xf32>
        %add3A_347 = arith.constant 6 : i32
        %add3A_348 = arith.addi %mul3A_303, %add3A_347 : i32
        %get3A_349 = arith.index_cast %add3A_348 : i32 to index
        %get3A_350 = arith.index_cast %mul3A_301 : i32 to index
        %get3A_351 = tpu.vector_load %arg9[%get3A_349, %get3A_350] {strides = array<i32>} : memref<128x128xf32, #tpu.memory_space<vmem>>, vector<1x16xf32>,
        %get3A_352 = vector.shape_cast %get3A_351 : vector<1x16xf32> to vector<16xf32>
        %add3A_353 = arith.addf %add3A_337, %get3A_352 : vector<16xf32>
        %add3A_354 = arith.constant 6 : i32
        %add3A_355 = arith.addi %mul3A_303, %add3A_354 : i32
        %add3A_356 = arith.constant 1 : i32
        %add3A_357 = arith.addi %add3A_355, %add3A_356 : i32
        %get3A_358 = arith.index_cast %add3A_357 : i32 to index
        %get3A_359 = arith.index_cast %mul3A_301 : i32 to index
        %get3A_360 = tpu.vector_load %arg9[%get3A_358, %get3A_359] {strides = array<i32>} : memref<128x128xf32, #tpu.memory_space<vmem>>, vector<1x16xf32>,
        %get3A_361 = vector.shape_cast %get3A_360 : vector<1x16xf32> to vector<16xf32>
        %add3A_362 = arith.addf %add3A_346, %get3A_361 : vector<16xf32>
        %add3A_363 = arith.constant 8 : i32
        %add3A_364 = arith.addi %mul3A_303, %add3A_363 : i32
        %get3A_365 = arith.index_cast %add3A_364 : i32 to index
        %get3A_366 = arith.index_cast %mul3A_301 : i32 to index
        %get3A_367 = tpu.vector_load %arg9[%get3A_365, %get3A_366] {strides = array<i32>} : memref<128x128xf32, #tpu.memory_space<vmem>>, vector<1x16xf32>,
        %get3A_368 = vector.shape_cast %get3A_367 : vector<1x16xf32> to vector<16xf32>
        %add3A_369 = arith.addf %add3A_353, %get3A_368 : vector<16xf32>
        %add3A_370 = arith.constant 8 : i32
        %add3A_371 = arith.addi %mul3A_303, %add3A_370 : i32
        %add3A_372 = arith.constant 1 : i32
        %add3A_373 = arith.addi %add3A_371, %add3A_372 : i32
        %get3A_374 = arith.index_cast %add3A_373 : i32 to index
        %get3A_375 = arith.index_cast %mul3A_301 : i32 to index
        %get3A_376 = tpu.vector_load %arg9[%get3A_374, %get3A_375] {strides = array<i32>} : memref<128x128xf32, #tpu.memory_space<vmem>>, vector<1x16xf32>,
        %get3A_377 = vector.shape_cast %get3A_376 : vector<1x16xf32> to vector<16xf32>
        %add3A_378 = arith.addf %add3A_362, %get3A_377 : vector<16xf32>
        %add3A_379 = arith.constant 10 : i32
        %add3A_380 = arith.addi %mul3A_303, %add3A_379 : i32
        %get3A_381 = arith.index_cast %add3A_380 : i32 to index
        %get3A_382 = arith.index_cast %mul3A_301 : i32 to index
        %get3A_383 = tpu.vector_load %arg9[%get3A_381, %get3A_382] {strides = array<i32>} : memref<128x128xf32, #tpu.memory_space<vmem>>, vector<1x16xf32>,
        %get3A_384 = vector.shape_cast %get3A_383 : vector<1x16xf32> to vector<16xf32>
        %add3A_385 = arith.addf %add3A_369, %get3A_384 : vector<16xf32>
        %add3A_386 = arith.constant 10 : i32
        %add3A_387 = arith.addi %mul3A_303, %add3A_386 : i32
        %add3A_388 = arith.constant 1 : i32
        %add3A_389 = arith.addi %add3A_387, %add3A_388 : i32
        %get3A_390 = arith.index_cast %add3A_389 : i32 to index
        %get3A_391 = arith.index_cast %mul3A_301 : i32 to index
        %get3A_392 = tpu.vector_load %arg9[%get3A_390, %get3A_391] {strides = array<i32>} : memref<128x128xf32, #tpu.memory_space<vmem>>, vector<1x16xf32>,
        %get3A_393 = vector.shape_cast %get3A_392 : vector<1x16xf32> to vector<16xf32>
        %add3A_394 = arith.addf %add3A_378, %get3A_393 : vector<16xf32>
        %add3A_395 = arith.constant 12 : i32
        %add3A_396 = arith.addi %mul3A_303, %add3A_395 : i32
        %get3A_397 = arith.index_cast %add3A_396 : i32 to index
        %get3A_398 = arith.index_cast %mul3A_301 : i32 to index
        %get3A_399 = tpu.vector_load %arg9[%get3A_397, %get3A_398] {strides = array<i32>} : memref<128x128xf32, #tpu.memory_space<vmem>>, vector<1x16xf32>,
        %get3A_400 = vector.shape_cast %get3A_399 : vector<1x16xf32> to vector<16xf32>
        %add3A_401 = arith.addf %add3A_385, %get3A_400 : vector<16xf32>
        %add3A_402 = arith.constant 12 : i32
        %add3A_403 = arith.addi %mul3A_303, %add3A_402 : i32
        %add3A_404 = arith.constant 1 : i32
        %add3A_405 = arith.addi %add3A_403, %add3A_404 : i32
        %get3A_406 = arith.index_cast %add3A_405 : i32 to index
        %get3A_407 = arith.index_cast %mul3A_301 : i32 to index
        %get3A_408 = tpu.vector_load %arg9[%get3A_406, %get3A_407] {strides = array<i32>} : memref<128x128xf32, #tpu.memory_space<vmem>>, vector<1x16xf32>,
        %get3A_409 = vector.shape_cast %get3A_408 : vector<1x16xf32> to vector<16xf32>
        %add3A_410 = arith.addf %add3A_394, %get3A_409 : vector<16xf32>
        %add3A_411 = arith.constant 14 : i32
        %add3A_412 = arith.addi %mul3A_303, %add3A_411 : i32
        %get3A_413 = arith.index_cast %add3A_412 : i32 to index
        %get3A_414 = arith.index_cast %mul3A_301 : i32 to index
        %get3A_415 = tpu.vector_load %arg9[%get3A_413, %get3A_414] {strides = array<i32>} : memref<128x128xf32, #tpu.memory_space<vmem>>, vector<1x16xf32>,
        %get3A_416 = vector.shape_cast %get3A_415 : vector<1x16xf32> to vector<16xf32>
        %add3A_417 = arith.addf %add3A_401, %get3A_416 : vector<16xf32>
        %add3A_418 = arith.constant 14 : i32
        %add3A_419 = arith.addi %mul3A_303, %add3A_418 : i32
        %add3A_420 = arith.constant 1 : i32
        %add3A_421 = arith.addi %add3A_419, %add3A_420 : i32
        %get3A_422 = arith.index_cast %add3A_421 : i32 to index
        %get3A_423 = arith.index_cast %mul3A_301 : i32 to index
        %get3A_424 = tpu.vector_load %arg9[%get3A_422, %get3A_423] {strides = array<i32>} : memref<128x128xf32, #tpu.memory_space<vmem>>, vector<1x16xf32>,
        %get3A_425 = vector.shape_cast %get3A_424 : vector<1x16xf32> to vector<16xf32>
        %add3A_426 = arith.addf %add3A_410, %get3A_425 : vector<16xf32>
        %add3A_427 = arith.constant 16 : i32
        %add3A_428 = arith.addi %mul3A_303, %add3A_427 : i32
        %get3A_429 = arith.index_cast %add3A_428 : i32 to index
        %get3A_430 = arith.index_cast %mul3A_301 : i32 to index
        %get3A_431 = tpu.vector_load %arg9[%get3A_429, %get3A_430] {strides = array<i32>} : memref<128x128xf32, #tpu.memory_space<vmem>>, vector<1x16xf32>,
        %get3A_432 = vector.shape_cast %get3A_431 : vector<1x16xf32> to vector<16xf32>
        %add3A_433 = arith.addf %add3A_417, %get3A_432 : vector<16xf32>
        %add3A_434 = arith.constant 16 : i32
        %add3A_435 = arith.addi %mul3A_303, %add3A_434 : i32
        %add3A_436 = arith.constant 1 : i32
        %add3A_437 = arith.addi %add3A_435, %add3A_436 : i32
        %get3A_438 = arith.index_cast %add3A_437 : i32 to index
        %get3A_439 = arith.index_cast %mul3A_301 : i32 to index
        %get3A_440 = tpu.vector_load %arg9[%get3A_438, %get3A_439] {strides = array<i32>} : memref<128x128xf32, #tpu.memory_space<vmem>>, vector<1x16xf32>,
        %get3A_441 = vector.shape_cast %get3A_440 : vector<1x16xf32> to vector<16xf32>
        %add3A_442 = arith.addf %add3A_426, %get3A_441 : vector<16xf32>
        %add3A_443 = arith.constant 18 : i32
        %add3A_444 = arith.addi %mul3A_303, %add3A_443 : i32
        %get3A_445 = arith.index_cast %add3A_444 : i32 to index
        %get3A_446 = arith.index_cast %mul3A_301 : i32 to index
        %get3A_447 = tpu.vector_load %arg9[%get3A_445, %get3A_446] {strides = array<i32>} : memref<128x128xf32, #tpu.memory_space<vmem>>, vector<1x16xf32>,
        %get3A_448 = vector.shape_cast %get3A_447 : vector<1x16xf32> to vector<16xf32>
        %add3A_449 = arith.addf %add3A_433, %get3A_448 : vector<16xf32>
        %add3A_450 = arith.constant 18 : i32
        %add3A_451 = arith.addi %mul3A_303, %add3A_450 : i32
        %add3A_452 = arith.constant 1 : i32
        %add3A_453 = arith.addi %add3A_451, %add3A_452 : i32
        %get3A_454 = arith.index_cast %add3A_453 : i32 to index
        %get3A_455 = arith.index_cast %mul3A_301 : i32 to index
        %get3A_456 = tpu.vector_load %arg9[%get3A_454, %get3A_455] {strides = array<i32>} : memref<128x128xf32, #tpu.memory_space<vmem>>, vector<1x16xf32>,
        %get3A_457 = vector.shape_cast %get3A_456 : vector<1x16xf32> to vector<16xf32>
        %add3A_458 = arith.addf %add3A_442, %get3A_457 : vector<16xf32>
        %add3A_459 = arith.constant 20 : i32
        %add3A_460 = arith.addi %mul3A_303, %add3A_459 : i32
        %get3A_461 = arith.index_cast %add3A_460 : i32 to index
        %get3A_462 = arith.index_cast %mul3A_301 : i32 to index
        %get3A_463 = tpu.vector_load %arg9[%get3A_461, %get3A_462] {strides = array<i32>} : memref<128x128xf32, #tpu.memory_space<vmem>>, vector<1x16xf32>,
        %get3A_464 = vector.shape_cast %get3A_463 : vector<1x16xf32> to vector<16xf32>
        %add3A_465 = arith.addf %add3A_449, %get3A_464 : vector<16xf32>
        %add3A_466 = arith.constant 20 : i32
        %add3A_467 = arith.addi %mul3A_303, %add3A_466 : i32
        %add3A_468 = arith.constant 1 : i32
        %add3A_469 = arith.addi %add3A_467, %add3A_468 : i32
        %get3A_470 = arith.index_cast %add3A_469 : i32 to index
        %get3A_471 = arith.index_cast %mul3A_301 : i32 to index
        %get3A_472 = tpu.vector_load %arg9[%get3A_470, %get3A_471] {strides = array<i32>} : memref<128x128xf32, #tpu.memory_space<vmem>>, vector<1x16xf32>,
        %get3A_473 = vector.shape_cast %get3A_472 : vector<1x16xf32> to vector<16xf32>
        %add3A_474 = arith.addf %add3A_458, %get3A_473 : vector<16xf32>
        %add3A_475 = arith.constant 22 : i32
        %add3A_476 = arith.addi %mul3A_303, %add3A_475 : i32
        %get3A_477 = arith.index_cast %add3A_476 : i32 to index
        %get3A_478 = arith.index_cast %mul3A_301 : i32 to index
        %get3A_479 = tpu.vector_load %arg9[%get3A_477, %get3A_478] {strides = array<i32>} : memref<128x128xf32, #tpu.memory_space<vmem>>, vector<1x16xf32>,
        %get3A_480 = vector.shape_cast %get3A_479 : vector<1x16xf32> to vector<16xf32>
        %add3A_481 = arith.addf %add3A_465, %get3A_480 : vector<16xf32>
        %add3A_482 = arith.constant 22 : i32
        %add3A_483 = arith.addi %mul3A_303, %add3A_482 : i32
        %add3A_484 = arith.constant 1 : i32
        %add3A_485 = arith.addi %add3A_483, %add3A_484 : i32
        %get3A_486 = arith.index_cast %add3A_485 : i32 to index
        %get3A_487 = arith.index_cast %mul3A_301 : i32 to index
        %get3A_488 = tpu.vector_load %arg9[%get3A_486, %get3A_487] {strides = array<i32>} : memref<128x128xf32, #tpu.memory_space<vmem>>, vector<1x16xf32>,
        %get3A_489 = vector.shape_cast %get3A_488 : vector<1x16xf32> to vector<16xf32>
        %add3A_490 = arith.addf %add3A_474, %get3A_489 : vector<16xf32>
        %add3A_491 = arith.constant 24 : i32
        %add3A_492 = arith.addi %mul3A_303, %add3A_491 : i32
        %get3A_493 = arith.index_cast %add3A_492 : i32 to index
        %get3A_494 = arith.index_cast %mul3A_301 : i32 to index
        %get3A_495 = tpu.vector_load %arg9[%get3A_493, %get3A_494] {strides = array<i32>} : memref<128x128xf32, #tpu.memory_space<vmem>>, vector<1x16xf32>,
        %get3A_496 = vector.shape_cast %get3A_495 : vector<1x16xf32> to vector<16xf32>
        %add3A_497 = arith.addf %add3A_481, %get3A_496 : vector<16xf32>
        %add3A_498 = arith.constant 24 : i32
        %add3A_499 = arith.addi %mul3A_303, %add3A_498 : i32
        %add3A_500 = arith.constant 1 : i32
        %add3A_501 = arith.addi %add3A_499, %add3A_500 : i32
        %get3A_502 = arith.index_cast %add3A_501 : i32 to index
        %get3A_503 = arith.index_cast %mul3A_301 : i32 to index
        %get3A_504 = tpu.vector_load %arg9[%get3A_502, %get3A_503] {strides = array<i32>} : memref<128x128xf32, #tpu.memory_space<vmem>>, vector<1x16xf32>,
        %get3A_505 = vector.shape_cast %get3A_504 : vector<1x16xf32> to vector<16xf32>
        %add3A_506 = arith.addf %add3A_490, %get3A_505 : vector<16xf32>
        %add3A_507 = arith.constant 26 : i32
        %add3A_508 = arith.addi %mul3A_303, %add3A_507 : i32
        %get3A_509 = arith.index_cast %add3A_508 : i32 to index
        %get3A_510 = arith.index_cast %mul3A_301 : i32 to index
        %get3A_511 = tpu.vector_load %arg9[%get3A_509, %get3A_510] {strides = array<i32>} : memref<128x128xf32, #tpu.memory_space<vmem>>, vector<1x16xf32>,
        %get3A_512 = vector.shape_cast %get3A_511 : vector<1x16xf32> to vector<16xf32>
        %add3A_513 = arith.addf %add3A_497, %get3A_512 : vector<16xf32>
        %add3A_514 = arith.constant 26 : i32
        %add3A_515 = arith.addi %mul3A_303, %add3A_514 : i32
        %add3A_516 = arith.constant 1 : i32
        %add3A_517 = arith.addi %add3A_515, %add3A_516 : i32
        %get3A_518 = arith.index_cast %add3A_517 : i32 to index
        %get3A_519 = arith.index_cast %mul3A_301 : i32 to index
        %get3A_520 = tpu.vector_load %arg9[%get3A_518, %get3A_519] {strides = array<i32>} : memref<128x128xf32, #tpu.memory_space<vmem>>, vector<1x16xf32>,
        %get3A_521 = vector.shape_cast %get3A_520 : vector<1x16xf32> to vector<16xf32>
        %add3A_522 = arith.addf %add3A_506, %get3A_521 : vector<16xf32>
        %add3A_523 = arith.constant 28 : i32
        %add3A_524 = arith.addi %mul3A_303, %add3A_523 : i32
        %get3A_525 = arith.index_cast %add3A_524 : i32 to index
        %get3A_526 = arith.index_cast %mul3A_301 : i32 to index
        %get3A_527 = tpu.vector_load %arg9[%get3A_525, %get3A_526] {strides = array<i32>} : memref<128x128xf32, #tpu.memory_space<vmem>>, vector<1x16xf32>,
        %get3A_528 = vector.shape_cast %get3A_527 : vector<1x16xf32> to vector<16xf32>
        %add3A_529 = arith.addf %add3A_513, %get3A_528 : vector<16xf32>
        %add3A_530 = arith.constant 28 : i32
        %add3A_531 = arith.addi %mul3A_303, %add3A_530 : i32
        %add3A_532 = arith.constant 1 : i32
        %add3A_533 = arith.addi %add3A_531, %add3A_532 : i32
        %get3A_534 = arith.index_cast %add3A_533 : i32 to index
        %get3A_535 = arith.index_cast %mul3A_301 : i32 to index
        %get3A_536 = tpu.vector_load %arg9[%get3A_534, %get3A_535] {strides = array<i32>} : memref<128x128xf32, #tpu.memory_space<vmem>>, vector<1x16xf32>,
        %get3A_537 = vector.shape_cast %get3A_536 : vector<1x16xf32> to vector<16xf32>
        %add3A_538 = arith.addf %add3A_522, %get3A_537 : vector<16xf32>
        %add3A_539 = arith.constant 30 : i32
        %add3A_540 = arith.addi %mul3A_303, %add3A_539 : i32
        %get3A_541 = arith.index_cast %add3A_540 : i32 to index
        %get3A_542 = arith.index_cast %mul3A_301 : i32 to index
        %get3A_543 = tpu.vector_load %arg9[%get3A_541, %get3A_542] {strides = array<i32>} : memref<128x128xf32, #tpu.memory_space<vmem>>, vector<1x16xf32>,
        %get3A_544 = vector.shape_cast %get3A_543 : vector<1x16xf32> to vector<16xf32>
        %add3A_545 = arith.addf %add3A_529, %get3A_544 : vector<16xf32>
        %add3A_546 = arith.constant 30 : i32
        %add3A_547 = arith.addi %mul3A_303, %add3A_546 : i32
        %add3A_548 = arith.constant 1 : i32
        %add3A_549 = arith.addi %add3A_547, %add3A_548 : i32
        %get3A_550 = arith.index_cast %add3A_549 : i32 to index
        %get3A_551 = arith.index_cast %mul3A_301 : i32 to index
        %get3A_552 = tpu.vector_load %arg9[%get3A_550, %get3A_551] {strides = array<i32>} : memref<128x128xf32, #tpu.memory_space<vmem>>, vector<1x16xf32>,
        %get3A_553 = vector.shape_cast %get3A_552 : vector<1x16xf32> to vector<16xf32>
        %add3A_554 = arith.addf %add3A_538, %get3A_553 : vector<16xf32>
        %add3A_555 = arith.addf %add3A_545, %add3A_554 : vector<16xf32>
        %add3A_556 = arith.constant 4 : i32
        %add3A_557 = arith.addi %add3A_556, %select_n3A : i32
        %swap3A = arith.index_cast %add3A_557 : i32 to index
        %swap3A_558 = arith.index_cast %mul3A_301 : i32 to index
        %swap3A_559 = tpu.vector_load %arg11[%swap3A, %swap3A_558] {strides = array<i32>} : memref<8x128xf32, #tpu.memory_space<vmem>>, vector<1x16xf32>,
        %swap3A_560 = vector.shape_cast %swap3A_559 : vector<1x16xf32> to vector<16xf32>
        %swap3A_561 = vector.shape_cast %add3A_555 : vector<16xf32> to vector<1x16xf32>
        tpu.vector_store %arg11[%swap3A, %swap3A_558], %swap3A_561 {strides = array<i32>} : memref<8x128xf32, #tpu.memory_space<vmem>>, vector<1x16xf32>,
      }
      %scan3A_235 = arith.constant 32 : i32
      %min3A_236 = arith.constant 39 : i32
      %min3A_237 = arith.minsi %add3A_196, %min3A_236 : i32
      %add3A_238 = arith.addi %mul3A_2, %min3A_237 : i32
      %mul3A_239 = arith.constant 8 : i32
      %mul3A_240 = arith.muli %add3A_238, %mul3A_239 : i32
      %dma_start3A_241 = arith.constant 0 : i32
      %dma_start3A_242 = tpu.memref_slice %arg4[%mul3A_240, %dma_start3A_241] : memref<10240x128xf32, #tpu.memory_space<hbm>> -> memref<8x128xf32, #tpu.memory_space<hbm>>
      %dma_start3A_243 = arith.constant 0 : i32
      %dma_start3A_244 = tpu.memref_slice %arg4[%mul3A_240, %dma_start3A_243] : memref<10240x128xf32, #tpu.memory_space<hbm>> -> memref<8x128xf32, #tpu.memory_space<hbm>>
      tpu.enqueue_dma source(%arg11 : memref<8x128xf32, #tpu.memory_space<vmem>>) target(%dma_start3A_244 : memref<8x128xf32, #tpu.memory_space<hbm>>) target_semaphore(%arg15 : memref<!tpu.dma_semaphore, #tpu.memory_space<semaphore_mem>>)
      %add3A_245 = arith.constant 2 : i32
      %add3A_246 = arith.addi %add3A_196, %add3A_245 : i32
      %min3A_247 = arith.constant 39 : i32
      %min3A_248 = arith.minsi %add3A_246, %min3A_247 : i32
      %mul3A_249 = arith.constant 2 : i32
      %mul3A_250 = arith.muli %mul3A_249, %min3A_248 : i32
      %add3A_251 = arith.constant 0 : i32
      %add3A_252 = arith.addi %mul3A_250, %add3A_251 : i32
      %mul3A_253 = arith.constant 2 : i32
      %mul3A_254 = arith.muli %mul3A_253, %min3A_248 : i32
      %add3A_255 = arith.constant 1 : i32
      %add3A_256 = arith.addi %mul3A_254, %add3A_255 : i32
      %dma_start3A_257 = arith.constant 0 : i32
      %dma_start3A_258 = tpu.memref_slice %arg5[%add3A_252, %dma_start3A_257] : memref<80x128xi32, #tpu.memory_space<vmem>> -> memref<1x128xi32, #tpu.memory_space<vmem>>
      %dma_start3A_259 = tpu.memref_squeeze %dma_start3A_258 : memref<1x128xi32, #tpu.memory_space<vmem>> -> memref<128xi32, #tpu.memory_space<vmem>>
      %dma_start3A_260 = arith.constant 0 : i32
      %dma_start3A_261 = arith.constant 0 : i32
      %dma_start3A_262 = tpu.memref_slice %arg2[%dma_start3A_260, %dma_start3A_261] : memref<10000x128xf32, #tpu.memory_space<hbm>> -> memref<10000x128xf32, #tpu.memory_space<hbm>>
      tpu.enqueue_indirect_dma source(%dma_start3A_262 : memref<10000x128xf32, #tpu.memory_space<hbm>>) target(%arg8 : memref<128x128xf32, #tpu.memory_space<vmem>>) offsets(%dma_start3A_259 : memref<128xi32, #tpu.memory_space<vmem>>) semaphore(%arg13 : memref<!tpu.dma_semaphore, #tpu.memory_space<semaphore_mem>>)
      %dma_start3A_263 = arith.constant 0 : i32
      %dma_start3A_264 = tpu.memref_slice %arg5[%add3A_256, %dma_start3A_263] : memref<80x128xi32, #tpu.memory_space<vmem>> -> memref<1x128xi32, #tpu.memory_space<vmem>>
      %dma_start3A_265 = tpu.memref_squeeze %dma_start3A_264 : memref<1x128xi32, #tpu.memory_space<vmem>> -> memref<128xi32, #tpu.memory_space<vmem>>
      %dma_start3A_266 = arith.constant 0 : i32
      %dma_start3A_267 = arith.constant 0 : i32
      %dma_start3A_268 = tpu.memref_slice %arg2[%dma_start3A_266, %dma_start3A_267] : memref<10000x128xf32, #tpu.memory_space<hbm>> -> memref<10000x128xf32, #tpu.memory_space<hbm>>
      tpu.enqueue_indirect_dma source(%dma_start3A_268 : memref<10000x128xf32, #tpu.memory_space<hbm>>) target(%arg9 : memref<128x128xf32, #tpu.memory_space<vmem>>) offsets(%dma_start3A_265 : memref<128xi32, #tpu.memory_space<vmem>>) semaphore(%arg13 : memref<!tpu.dma_semaphore, #tpu.memory_space<semaphore_mem>>)
    }
    %scan3A_53 = arith.constant 20 : i32
    %min3A_54 = arith.constant 40 : i32
    %min3A_55 = arith.constant 39 : i32
    %min3A_56 = arith.minsi %min3A_54, %min3A_55 : i32
    %mul3A_57 = arith.constant 2 : i32
    %mul3A_58 = arith.muli %mul3A_57, %min3A_56 : i32
    %add3A_59 = arith.constant 0 : i32
    %add3A_60 = arith.addi %mul3A_58, %add3A_59 : i32
    %mul3A_61 = arith.constant 2 : i32
    %mul3A_62 = arith.muli %mul3A_61, %min3A_56 : i32
    %add3A_63 = arith.constant 1 : i32
    %add3A_64 = arith.addi %mul3A_62, %add3A_63 : i32
    %dma_wait3A = arith.constant 0 : i32
    %dma_wait3A_65 = tpu.memref_slice %arg5[%add3A_60, %dma_wait3A] : memref<80x128xi32, #tpu.memory_space<vmem>> -> memref<1x128xi32, #tpu.memory_space<vmem>>
    %dma_wait3A_66 = tpu.memref_squeeze %dma_wait3A_65 : memref<1x128xi32, #tpu.memory_space<vmem>> -> memref<128xi32, #tpu.memory_space<vmem>>
    %dma_wait3A_67 = arith.constant 0 : i32
    %dma_wait3A_68 = arith.constant 0 : i32
    %dma_wait3A_69 = tpu.memref_slice %arg2[%dma_wait3A_67, %dma_wait3A_68] : memref<10000x128xf32, #tpu.memory_space<hbm>> -> memref<10000x128xf32, #tpu.memory_space<hbm>>
    tpu.wait_indirect_dma semaphore(%arg12 : memref<!tpu.dma_semaphore, #tpu.memory_space<semaphore_mem>>) src(%dma_wait3A_69 : memref<10000x128xf32, #tpu.memory_space<hbm>>) dst(%arg6 : memref<128x128xf32, #tpu.memory_space<vmem>>)
    %dma_wait3A_70 = arith.constant 0 : i32
    %dma_wait3A_71 = tpu.memref_slice %arg5[%add3A_64, %dma_wait3A_70] : memref<80x128xi32, #tpu.memory_space<vmem>> -> memref<1x128xi32, #tpu.memory_space<vmem>>
    %dma_wait3A_72 = tpu.memref_squeeze %dma_wait3A_71 : memref<1x128xi32, #tpu.memory_space<vmem>> -> memref<128xi32, #tpu.memory_space<vmem>>
    %dma_wait3A_73 = arith.constant 0 : i32
    %dma_wait3A_74 = arith.constant 0 : i32
    %dma_wait3A_75 = tpu.memref_slice %arg2[%dma_wait3A_73, %dma_wait3A_74] : memref<10000x128xf32, #tpu.memory_space<hbm>> -> memref<10000x128xf32, #tpu.memory_space<hbm>>
    tpu.wait_indirect_dma semaphore(%arg12 : memref<!tpu.dma_semaphore, #tpu.memory_space<semaphore_mem>>) src(%dma_wait3A_75 : memref<10000x128xf32, #tpu.memory_space<hbm>>) dst(%arg7 : memref<128x128xf32, #tpu.memory_space<vmem>>)
    %min3A_76 = arith.constant 38 : i32
    %min3A_77 = arith.constant 39 : i32
    %min3A_78 = arith.minsi %min3A_76, %min3A_77 : i32
    %add3A_79 = arith.addi %mul3A_2, %min3A_78 : i32
    %mul3A_80 = arith.constant 8 : i32
    %mul3A_81 = arith.muli %add3A_79, %mul3A_80 : i32
    %dma_wait3A_82 = arith.constant 0 : i32
    %dma_wait3A_83 = tpu.memref_slice %arg4[%mul3A_81, %dma_wait3A_82] : memref<10240x128xf32, #tpu.memory_space<hbm>> -> memref<8x128xf32, #tpu.memory_space<hbm>>
    %dma_wait3A_84 = arith.constant 0 : i32
    %dma_wait3A_85 = tpu.memref_slice %arg4[%mul3A_81, %dma_wait3A_84] : memref<10240x128xf32, #tpu.memory_space<hbm>> -> memref<8x128xf32, #tpu.memory_space<hbm>>
    tpu.wait_dma2 semaphore(%arg14 : memref<!tpu.dma_semaphore, #tpu.memory_space<semaphore_mem>>) src(%arg10 : memref<8x128xf32, #tpu.memory_space<vmem>>) dst(%dma_wait3A_85 : memref<8x128xf32, #tpu.memory_space<hbm>>)
    %min3A_86 = arith.constant 41 : i32
    %min3A_87 = arith.constant 39 : i32
    %min3A_88 = arith.minsi %min3A_86, %min3A_87 : i32
    %mul3A_89 = arith.constant 2 : i32
    %mul3A_90 = arith.muli %mul3A_89, %min3A_88 : i32
    %add3A_91 = arith.constant 0 : i32
    %add3A_92 = arith.addi %mul3A_90, %add3A_91 : i32
    %mul3A_93 = arith.constant 2 : i32
    %mul3A_94 = arith.muli %mul3A_93, %min3A_88 : i32
    %add3A_95 = arith.constant 1 : i32
    %add3A_96 = arith.addi %mul3A_94, %add3A_95 : i32
    %dma_wait3A_97 = arith.constant 0 : i32
    %dma_wait3A_98 = tpu.memref_slice %arg5[%add3A_92, %dma_wait3A_97] : memref<80x128xi32, #tpu.memory_space<vmem>> -> memref<1x128xi32, #tpu.memory_space<vmem>>
    %dma_wait3A_99 = tpu.memref_squeeze %dma_wait3A_98 : memref<1x128xi32, #tpu.memory_space<vmem>> -> memref<128xi32, #tpu.memory_space<vmem>>
    %dma_wait3A_100 = arith.constant 0 : i32
    %dma_wait3A_101 = arith.constant 0 : i32
    %dma_wait3A_102 = tpu.memref_slice %arg2[%dma_wait3A_100, %dma_wait3A_101] : memref<10000x128xf32, #tpu.memory_space<hbm>> -> memref<10000x128xf32, #tpu.memory_space<hbm>>
    tpu.wait_indirect_dma semaphore(%arg13 : memref<!tpu.dma_semaphore, #tpu.memory_space<semaphore_mem>>) src(%dma_wait3A_102 : memref<10000x128xf32, #tpu.memory_space<hbm>>) dst(%arg8 : memref<128x128xf32, #tpu.memory_space<vmem>>)
    %dma_wait3A_103 = arith.constant 0 : i32
    %dma_wait3A_104 = tpu.memref_slice %arg5[%add3A_96, %dma_wait3A_103] : memref<80x128xi32, #tpu.memory_space<vmem>> -> memref<1x128xi32, #tpu.memory_space<vmem>>
    %dma_wait3A_105 = tpu.memref_squeeze %dma_wait3A_104 : memref<1x128xi32, #tpu.memory_space<vmem>> -> memref<128xi32, #tpu.memory_space<vmem>>
    %dma_wait3A_106 = arith.constant 0 : i32
    %dma_wait3A_107 = arith.constant 0 : i32
    %dma_wait3A_108 = tpu.memref_slice %arg2[%dma_wait3A_106, %dma_wait3A_107] : memref<10000x128xf32, #tpu.memory_space<hbm>> -> memref<10000x128xf32, #tpu.memory_space<hbm>>
    tpu.wait_indirect_dma semaphore(%arg13 : memref<!tpu.dma_semaphore, #tpu.memory_space<semaphore_mem>>) src(%dma_wait3A_108 : memref<10000x128xf32, #tpu.memory_space<hbm>>) dst(%arg9 : memref<128x128xf32, #tpu.memory_space<vmem>>)
    %min3A_109 = arith.constant 39 : i32
    %min3A_110 = arith.constant 39 : i32
    %min3A_111 = arith.minsi %min3A_109, %min3A_110 : i32
    %add3A_112 = arith.addi %mul3A_2, %min3A_111 : i32
    %mul3A_113 = arith.constant 8 : i32
    %mul3A_114 = arith.muli %add3A_112, %mul3A_113 : i32
    %dma_wait3A_115 = arith.constant 0 : i32
    %dma_wait3A_116 = tpu.memref_slice %arg4[%mul3A_114, %dma_wait3A_115] : memref<10240x128xf32, #tpu.memory_space<hbm>> -> memref<8x128xf32, #tpu.memory_space<hbm>>
    %dma_wait3A_117 = arith.constant 0 : i32
    %dma_wait3A_118 = tpu.memref_slice %arg4[%mul3A_114, %dma_wait3A_117] : memref<10240x128xf32, #tpu.memory_space<hbm>> -> memref<8x128xf32, #tpu.memory_space<hbm>>
    tpu.wait_dma2 semaphore(%arg15 : memref<!tpu.dma_semaphore, #tpu.memory_space<semaphore_mem>>) src(%arg11 : memref<8x128xf32, #tpu.memory_space<vmem>>) dst(%dma_wait3A_118 : memref<8x128xf32, #tpu.memory_space<hbm>>)
    return
  }
}

module attributes {stable_mosaic.version = 14 : i64} {
  func.func @_tc_time_body(%arg0: i32, %arg1: memref<1x32xf32, #tpu.memory_space<smem>>, %arg2: memref<32x512xf32, #tpu.memory_space<vmem>>, %arg3: memref<16x128xf32, #tpu.memory_space<vmem>>, %arg4: memref<512x128xf32, #tpu.memory_space<vmem>>) attributes {dimension_semantics = [#tpu.dimension_semantics<arbitrary>], iteration_bounds = array<i64: 20>, scalar_prefetch = 0 : i64, scratch_operands = 0 : i64, tpu.core_type = #tpu.core_type<tc>, window_params = [{transform_indices = @transform_0, window_bounds = array<i64: 1, 32>}, {transform_indices = @transform_1, window_bounds = array<i64: 32, 512>}, {pipeline_mode = #tpu.pipeline_mode<synchronous>, transform_indices = @transform_2, window_bounds = array<i64: 16, 128>}, {transform_indices = @transform_3, window_bounds = array<i64: 512, 128>}]} {
    %get3A = arith.constant 0 : index
    %get3A_0 = arith.constant 0 : index
    %get3A_1 = vector.load %arg2[%get3A, %get3A_0] : memref<32x512xf32, #tpu.memory_space<vmem>>, vector<32x512xf32>
    %get3A_2 = arith.constant 0 : index
    %get3A_3 = arith.constant 0 : index
    %get3A_4 = memref.load %arg1[%get3A_2, %get3A_3] : memref<1x32xf32, #tpu.memory_space<smem>>
    %get3A_5 = arith.constant 0 : index
    %get3A_6 = arith.constant 1 : index
    %get3A_7 = memref.load %arg1[%get3A_5, %get3A_6] : memref<1x32xf32, #tpu.memory_space<smem>>
    %reduce_sum3A = arith.constant dense<0.000000e+00> : vector<512xf32>
    %reduce_sum3A_8 = vector.multi_reduction <add>, %get3A_1, %reduce_sum3A [0] : vector<32x512xf32> to vector<512xf32>
    %broadcast_in_dim3A = vector.shape_cast %reduce_sum3A_8 : vector<512xf32> to vector<1x512xf32>
    %mul3A = vector.broadcast %get3A_4 : f32 to vector<1x512xf32>
    %mul3A_9 = arith.mulf %broadcast_in_dim3A, %mul3A : vector<1x512xf32>
    %mul3A_10 = arith.constant 3.200000e+01 : f32
    %mul3A_11 = arith.mulf %mul3A_10, %get3A_7 : f32
    %add3A = vector.broadcast %mul3A_11 : f32 to vector<1x512xf32>
    %add3A_12 = arith.addf %mul3A_9, %add3A : vector<1x512xf32>
    %get3A_13 = arith.constant 0 : index
    %get3A_14 = arith.constant 2 : index
    %get3A_15 = memref.load %arg1[%get3A_13, %get3A_14] : memref<1x32xf32, #tpu.memory_space<smem>>
    %get3A_16 = arith.constant 0 : index
    %get3A_17 = arith.constant 17 : index
    %get3A_18 = memref.load %arg1[%get3A_16, %get3A_17] : memref<1x32xf32, #tpu.memory_space<smem>>
    %mul3A_19 = vector.broadcast %get3A_15 : f32 to vector<32x512xf32>
    %mul3A_20 = arith.mulf %get3A_1, %mul3A_19 : vector<32x512xf32>
    %add3A_21 = vector.broadcast %get3A_18 : f32 to vector<32x512xf32>
    %add3A_22 = arith.addf %mul3A_20, %add3A_21 : vector<32x512xf32>
    %sin3A = math.sin %add3A_22 : vector<32x512xf32>
    %reduce_sum3A_23 = arith.constant dense<0.000000e+00> : vector<512xf32>
    %reduce_sum3A_24 = vector.multi_reduction <add>, %sin3A, %reduce_sum3A_23 [0] : vector<32x512xf32> to vector<512xf32>
    %broadcast_in_dim3A_25 = vector.shape_cast %reduce_sum3A_24 : vector<512xf32> to vector<1x512xf32>
    %get3A_26 = arith.constant 0 : index
    %get3A_27 = arith.constant 3 : index
    %get3A_28 = memref.load %arg1[%get3A_26, %get3A_27] : memref<1x32xf32, #tpu.memory_space<smem>>
    %get3A_29 = arith.constant 0 : index
    %get3A_30 = arith.constant 18 : index
    %get3A_31 = memref.load %arg1[%get3A_29, %get3A_30] : memref<1x32xf32, #tpu.memory_space<smem>>
    %mul3A_32 = vector.broadcast %get3A_28 : f32 to vector<32x512xf32>
    %mul3A_33 = arith.mulf %get3A_1, %mul3A_32 : vector<32x512xf32>
    %add3A_34 = vector.broadcast %get3A_31 : f32 to vector<32x512xf32>
    %add3A_35 = arith.addf %mul3A_33, %add3A_34 : vector<32x512xf32>
    %sin3A_36 = math.sin %add3A_35 : vector<32x512xf32>
    %reduce_sum3A_37 = arith.constant dense<0.000000e+00> : vector<512xf32>
    %reduce_sum3A_38 = vector.multi_reduction <add>, %sin3A_36, %reduce_sum3A_37 [0] : vector<32x512xf32> to vector<512xf32>
    %broadcast_in_dim3A_39 = vector.shape_cast %reduce_sum3A_38 : vector<512xf32> to vector<1x512xf32>
    %get3A_40 = arith.constant 0 : index
    %get3A_41 = arith.constant 4 : index
    %get3A_42 = memref.load %arg1[%get3A_40, %get3A_41] : memref<1x32xf32, #tpu.memory_space<smem>>
    %get3A_43 = arith.constant 0 : index
    %get3A_44 = arith.constant 19 : index
    %get3A_45 = memref.load %arg1[%get3A_43, %get3A_44] : memref<1x32xf32, #tpu.memory_space<smem>>
    %mul3A_46 = vector.broadcast %get3A_42 : f32 to vector<32x512xf32>
    %mul3A_47 = arith.mulf %get3A_1, %mul3A_46 : vector<32x512xf32>
    %add3A_48 = vector.broadcast %get3A_45 : f32 to vector<32x512xf32>
    %add3A_49 = arith.addf %mul3A_47, %add3A_48 : vector<32x512xf32>
    %sin3A_50 = math.sin %add3A_49 : vector<32x512xf32>
    %reduce_sum3A_51 = arith.constant dense<0.000000e+00> : vector<512xf32>
    %reduce_sum3A_52 = vector.multi_reduction <add>, %sin3A_50, %reduce_sum3A_51 [0] : vector<32x512xf32> to vector<512xf32>
    %broadcast_in_dim3A_53 = vector.shape_cast %reduce_sum3A_52 : vector<512xf32> to vector<1x512xf32>
    %get3A_54 = arith.constant 0 : index
    %get3A_55 = arith.constant 5 : index
    %get3A_56 = memref.load %arg1[%get3A_54, %get3A_55] : memref<1x32xf32, #tpu.memory_space<smem>>
    %get3A_57 = arith.constant 0 : index
    %get3A_58 = arith.constant 20 : index
    %get3A_59 = memref.load %arg1[%get3A_57, %get3A_58] : memref<1x32xf32, #tpu.memory_space<smem>>
    %mul3A_60 = vector.broadcast %get3A_56 : f32 to vector<32x512xf32>
    %mul3A_61 = arith.mulf %get3A_1, %mul3A_60 : vector<32x512xf32>
    %add3A_62 = vector.broadcast %get3A_59 : f32 to vector<32x512xf32>
    %add3A_63 = arith.addf %mul3A_61, %add3A_62 : vector<32x512xf32>
    %sin3A_64 = math.sin %add3A_63 : vector<32x512xf32>
    %reduce_sum3A_65 = arith.constant dense<0.000000e+00> : vector<512xf32>
    %reduce_sum3A_66 = vector.multi_reduction <add>, %sin3A_64, %reduce_sum3A_65 [0] : vector<32x512xf32> to vector<512xf32>
    %broadcast_in_dim3A_67 = vector.shape_cast %reduce_sum3A_66 : vector<512xf32> to vector<1x512xf32>
    %get3A_68 = arith.constant 0 : index
    %get3A_69 = arith.constant 6 : index
    %get3A_70 = memref.load %arg1[%get3A_68, %get3A_69] : memref<1x32xf32, #tpu.memory_space<smem>>
    %get3A_71 = arith.constant 0 : index
    %get3A_72 = arith.constant 21 : index
    %get3A_73 = memref.load %arg1[%get3A_71, %get3A_72] : memref<1x32xf32, #tpu.memory_space<smem>>
    %mul3A_74 = vector.broadcast %get3A_70 : f32 to vector<32x512xf32>
    %mul3A_75 = arith.mulf %get3A_1, %mul3A_74 : vector<32x512xf32>
    %add3A_76 = vector.broadcast %get3A_73 : f32 to vector<32x512xf32>
    %add3A_77 = arith.addf %mul3A_75, %add3A_76 : vector<32x512xf32>
    %sin3A_78 = math.sin %add3A_77 : vector<32x512xf32>
    %reduce_sum3A_79 = arith.constant dense<0.000000e+00> : vector<512xf32>
    %reduce_sum3A_80 = vector.multi_reduction <add>, %sin3A_78, %reduce_sum3A_79 [0] : vector<32x512xf32> to vector<512xf32>
    %broadcast_in_dim3A_81 = vector.shape_cast %reduce_sum3A_80 : vector<512xf32> to vector<1x512xf32>
    %get3A_82 = arith.constant 0 : index
    %get3A_83 = arith.constant 7 : index
    %get3A_84 = memref.load %arg1[%get3A_82, %get3A_83] : memref<1x32xf32, #tpu.memory_space<smem>>
    %get3A_85 = arith.constant 0 : index
    %get3A_86 = arith.constant 22 : index
    %get3A_87 = memref.load %arg1[%get3A_85, %get3A_86] : memref<1x32xf32, #tpu.memory_space<smem>>
    %mul3A_88 = vector.broadcast %get3A_84 : f32 to vector<32x512xf32>
    %mul3A_89 = arith.mulf %get3A_1, %mul3A_88 : vector<32x512xf32>
    %add3A_90 = vector.broadcast %get3A_87 : f32 to vector<32x512xf32>
    %add3A_91 = arith.addf %mul3A_89, %add3A_90 : vector<32x512xf32>
    %sin3A_92 = math.sin %add3A_91 : vector<32x512xf32>
    %reduce_sum3A_93 = arith.constant dense<0.000000e+00> : vector<512xf32>
    %reduce_sum3A_94 = vector.multi_reduction <add>, %sin3A_92, %reduce_sum3A_93 [0] : vector<32x512xf32> to vector<512xf32>
    %broadcast_in_dim3A_95 = vector.shape_cast %reduce_sum3A_94 : vector<512xf32> to vector<1x512xf32>
    %get3A_96 = arith.constant 0 : index
    %get3A_97 = arith.constant 8 : index
    %get3A_98 = memref.load %arg1[%get3A_96, %get3A_97] : memref<1x32xf32, #tpu.memory_space<smem>>
    %get3A_99 = arith.constant 0 : index
    %get3A_100 = arith.constant 23 : index
    %get3A_101 = memref.load %arg1[%get3A_99, %get3A_100] : memref<1x32xf32, #tpu.memory_space<smem>>
    %mul3A_102 = vector.broadcast %get3A_98 : f32 to vector<32x512xf32>
    %mul3A_103 = arith.mulf %get3A_1, %mul3A_102 : vector<32x512xf32>
    %add3A_104 = vector.broadcast %get3A_101 : f32 to vector<32x512xf32>
    %add3A_105 = arith.addf %mul3A_103, %add3A_104 : vector<32x512xf32>
    %sin3A_106 = math.sin %add3A_105 : vector<32x512xf32>
    %reduce_sum3A_107 = arith.constant dense<0.000000e+00> : vector<512xf32>
    %reduce_sum3A_108 = vector.multi_reduction <add>, %sin3A_106, %reduce_sum3A_107 [0] : vector<32x512xf32> to vector<512xf32>
    %broadcast_in_dim3A_109 = vector.shape_cast %reduce_sum3A_108 : vector<512xf32> to vector<1x512xf32>
    %get3A_110 = arith.constant 0 : index
    %get3A_111 = arith.constant 9 : index
    %get3A_112 = memref.load %arg1[%get3A_110, %get3A_111] : memref<1x32xf32, #tpu.memory_space<smem>>
    %get3A_113 = arith.constant 0 : index
    %get3A_114 = arith.constant 24 : index
    %get3A_115 = memref.load %arg1[%get3A_113, %get3A_114] : memref<1x32xf32, #tpu.memory_space<smem>>
    %mul3A_116 = vector.broadcast %get3A_112 : f32 to vector<32x512xf32>
    %mul3A_117 = arith.mulf %get3A_1, %mul3A_116 : vector<32x512xf32>
    %add3A_118 = vector.broadcast %get3A_115 : f32 to vector<32x512xf32>
    %add3A_119 = arith.addf %mul3A_117, %add3A_118 : vector<32x512xf32>
    %sin3A_120 = math.sin %add3A_119 : vector<32x512xf32>
    %reduce_sum3A_121 = arith.constant dense<0.000000e+00> : vector<512xf32>
    %reduce_sum3A_122 = vector.multi_reduction <add>, %sin3A_120, %reduce_sum3A_121 [0] : vector<32x512xf32> to vector<512xf32>
    %broadcast_in_dim3A_123 = vector.shape_cast %reduce_sum3A_122 : vector<512xf32> to vector<1x512xf32>
    %get3A_124 = arith.constant 0 : index
    %get3A_125 = arith.constant 10 : index
    %get3A_126 = memref.load %arg1[%get3A_124, %get3A_125] : memref<1x32xf32, #tpu.memory_space<smem>>
    %get3A_127 = arith.constant 0 : index
    %get3A_128 = arith.constant 25 : index
    %get3A_129 = memref.load %arg1[%get3A_127, %get3A_128] : memref<1x32xf32, #tpu.memory_space<smem>>
    %mul3A_130 = vector.broadcast %get3A_126 : f32 to vector<32x512xf32>
    %mul3A_131 = arith.mulf %get3A_1, %mul3A_130 : vector<32x512xf32>
    %add3A_132 = vector.broadcast %get3A_129 : f32 to vector<32x512xf32>
    %add3A_133 = arith.addf %mul3A_131, %add3A_132 : vector<32x512xf32>
    %sin3A_134 = math.sin %add3A_133 : vector<32x512xf32>
    %reduce_sum3A_135 = arith.constant dense<0.000000e+00> : vector<512xf32>
    %reduce_sum3A_136 = vector.multi_reduction <add>, %sin3A_134, %reduce_sum3A_135 [0] : vector<32x512xf32> to vector<512xf32>
    %broadcast_in_dim3A_137 = vector.shape_cast %reduce_sum3A_136 : vector<512xf32> to vector<1x512xf32>
    %get3A_138 = arith.constant 0 : index
    %get3A_139 = arith.constant 11 : index
    %get3A_140 = memref.load %arg1[%get3A_138, %get3A_139] : memref<1x32xf32, #tpu.memory_space<smem>>
    %get3A_141 = arith.constant 0 : index
    %get3A_142 = arith.constant 26 : index
    %get3A_143 = memref.load %arg1[%get3A_141, %get3A_142] : memref<1x32xf32, #tpu.memory_space<smem>>
    %mul3A_144 = vector.broadcast %get3A_140 : f32 to vector<32x512xf32>
    %mul3A_145 = arith.mulf %get3A_1, %mul3A_144 : vector<32x512xf32>
    %add3A_146 = vector.broadcast %get3A_143 : f32 to vector<32x512xf32>
    %add3A_147 = arith.addf %mul3A_145, %add3A_146 : vector<32x512xf32>
    %sin3A_148 = math.sin %add3A_147 : vector<32x512xf32>
    %reduce_sum3A_149 = arith.constant dense<0.000000e+00> : vector<512xf32>
    %reduce_sum3A_150 = vector.multi_reduction <add>, %sin3A_148, %reduce_sum3A_149 [0] : vector<32x512xf32> to vector<512xf32>
    %broadcast_in_dim3A_151 = vector.shape_cast %reduce_sum3A_150 : vector<512xf32> to vector<1x512xf32>
    %get3A_152 = arith.constant 0 : index
    %get3A_153 = arith.constant 12 : index
    %get3A_154 = memref.load %arg1[%get3A_152, %get3A_153] : memref<1x32xf32, #tpu.memory_space<smem>>
    %get3A_155 = arith.constant 0 : index
    %get3A_156 = arith.constant 27 : index
    %get3A_157 = memref.load %arg1[%get3A_155, %get3A_156] : memref<1x32xf32, #tpu.memory_space<smem>>
    %mul3A_158 = vector.broadcast %get3A_154 : f32 to vector<32x512xf32>
    %mul3A_159 = arith.mulf %get3A_1, %mul3A_158 : vector<32x512xf32>
    %add3A_160 = vector.broadcast %get3A_157 : f32 to vector<32x512xf32>
    %add3A_161 = arith.addf %mul3A_159, %add3A_160 : vector<32x512xf32>
    %sin3A_162 = math.sin %add3A_161 : vector<32x512xf32>
    %reduce_sum3A_163 = arith.constant dense<0.000000e+00> : vector<512xf32>
    %reduce_sum3A_164 = vector.multi_reduction <add>, %sin3A_162, %reduce_sum3A_163 [0] : vector<32x512xf32> to vector<512xf32>
    %broadcast_in_dim3A_165 = vector.shape_cast %reduce_sum3A_164 : vector<512xf32> to vector<1x512xf32>
    %get3A_166 = arith.constant 0 : index
    %get3A_167 = arith.constant 13 : index
    %get3A_168 = memref.load %arg1[%get3A_166, %get3A_167] : memref<1x32xf32, #tpu.memory_space<smem>>
    %get3A_169 = arith.constant 0 : index
    %get3A_170 = arith.constant 28 : index
    %get3A_171 = memref.load %arg1[%get3A_169, %get3A_170] : memref<1x32xf32, #tpu.memory_space<smem>>
    %mul3A_172 = vector.broadcast %get3A_168 : f32 to vector<32x512xf32>
    %mul3A_173 = arith.mulf %get3A_1, %mul3A_172 : vector<32x512xf32>
    %add3A_174 = vector.broadcast %get3A_171 : f32 to vector<32x512xf32>
    %add3A_175 = arith.addf %mul3A_173, %add3A_174 : vector<32x512xf32>
    %sin3A_176 = math.sin %add3A_175 : vector<32x512xf32>
    %reduce_sum3A_177 = arith.constant dense<0.000000e+00> : vector<512xf32>
    %reduce_sum3A_178 = vector.multi_reduction <add>, %sin3A_176, %reduce_sum3A_177 [0] : vector<32x512xf32> to vector<512xf32>
    %broadcast_in_dim3A_179 = vector.shape_cast %reduce_sum3A_178 : vector<512xf32> to vector<1x512xf32>
    %get3A_180 = arith.constant 0 : index
    %get3A_181 = arith.constant 14 : index
    %get3A_182 = memref.load %arg1[%get3A_180, %get3A_181] : memref<1x32xf32, #tpu.memory_space<smem>>
    %get3A_183 = arith.constant 0 : index
    %get3A_184 = arith.constant 29 : index
    %get3A_185 = memref.load %arg1[%get3A_183, %get3A_184] : memref<1x32xf32, #tpu.memory_space<smem>>
    %mul3A_186 = vector.broadcast %get3A_182 : f32 to vector<32x512xf32>
    %mul3A_187 = arith.mulf %get3A_1, %mul3A_186 : vector<32x512xf32>
    %add3A_188 = vector.broadcast %get3A_185 : f32 to vector<32x512xf32>
    %add3A_189 = arith.addf %mul3A_187, %add3A_188 : vector<32x512xf32>
    %sin3A_190 = math.sin %add3A_189 : vector<32x512xf32>
    %reduce_sum3A_191 = arith.constant dense<0.000000e+00> : vector<512xf32>
    %reduce_sum3A_192 = vector.multi_reduction <add>, %sin3A_190, %reduce_sum3A_191 [0] : vector<32x512xf32> to vector<512xf32>
    %broadcast_in_dim3A_193 = vector.shape_cast %reduce_sum3A_192 : vector<512xf32> to vector<1x512xf32>
    %get3A_194 = arith.constant 0 : index
    %get3A_195 = arith.constant 15 : index
    %get3A_196 = memref.load %arg1[%get3A_194, %get3A_195] : memref<1x32xf32, #tpu.memory_space<smem>>
    %get3A_197 = arith.constant 0 : index
    %get3A_198 = arith.constant 30 : index
    %get3A_199 = memref.load %arg1[%get3A_197, %get3A_198] : memref<1x32xf32, #tpu.memory_space<smem>>
    %mul3A_200 = vector.broadcast %get3A_196 : f32 to vector<32x512xf32>
    %mul3A_201 = arith.mulf %get3A_1, %mul3A_200 : vector<32x512xf32>
    %add3A_202 = vector.broadcast %get3A_199 : f32 to vector<32x512xf32>
    %add3A_203 = arith.addf %mul3A_201, %add3A_202 : vector<32x512xf32>
    %sin3A_204 = math.sin %add3A_203 : vector<32x512xf32>
    %reduce_sum3A_205 = arith.constant dense<0.000000e+00> : vector<512xf32>
    %reduce_sum3A_206 = vector.multi_reduction <add>, %sin3A_204, %reduce_sum3A_205 [0] : vector<32x512xf32> to vector<512xf32>
    %broadcast_in_dim3A_207 = vector.shape_cast %reduce_sum3A_206 : vector<512xf32> to vector<1x512xf32>
    %get3A_208 = arith.constant 0 : index
    %get3A_209 = arith.constant 16 : index
    %get3A_210 = memref.load %arg1[%get3A_208, %get3A_209] : memref<1x32xf32, #tpu.memory_space<smem>>
    %get3A_211 = arith.constant 0 : index
    %get3A_212 = arith.constant 31 : index
    %get3A_213 = memref.load %arg1[%get3A_211, %get3A_212] : memref<1x32xf32, #tpu.memory_space<smem>>
    %mul3A_214 = vector.broadcast %get3A_210 : f32 to vector<32x512xf32>
    %mul3A_215 = arith.mulf %get3A_1, %mul3A_214 : vector<32x512xf32>
    %add3A_216 = vector.broadcast %get3A_213 : f32 to vector<32x512xf32>
    %add3A_217 = arith.addf %mul3A_215, %add3A_216 : vector<32x512xf32>
    %sin3A_218 = math.sin %add3A_217 : vector<32x512xf32>
    %reduce_sum3A_219 = arith.constant dense<0.000000e+00> : vector<512xf32>
    %reduce_sum3A_220 = vector.multi_reduction <add>, %sin3A_218, %reduce_sum3A_219 [0] : vector<32x512xf32> to vector<512xf32>
    %broadcast_in_dim3A_221 = vector.shape_cast %reduce_sum3A_220 : vector<512xf32> to vector<1x512xf32>
    %concatenate3A = tpu.concatenate %add3A_12, %broadcast_in_dim3A_25, %broadcast_in_dim3A_39, %broadcast_in_dim3A_53, %broadcast_in_dim3A_67, %broadcast_in_dim3A_81, %broadcast_in_dim3A_95, %broadcast_in_dim3A_109, %broadcast_in_dim3A_123, %broadcast_in_dim3A_137, %broadcast_in_dim3A_151, %broadcast_in_dim3A_165, %broadcast_in_dim3A_179, %broadcast_in_dim3A_193, %broadcast_in_dim3A_207, %broadcast_in_dim3A_221 in 0 : vector<1x512xf32>, vector<1x512xf32>, vector<1x512xf32>, vector<1x512xf32>, vector<1x512xf32>, vector<1x512xf32>, vector<1x512xf32>, vector<1x512xf32>, vector<1x512xf32>, vector<1x512xf32>, vector<1x512xf32>, vector<1x512xf32>, vector<1x512xf32>, vector<1x512xf32>, vector<1x512xf32>, vector<1x512xf32> -> vector<16x512xf32>
    %get3A_222 = arith.constant 0 : index
    %get3A_223 = arith.constant 0 : index
    %get3A_224 = vector.load %arg3[%get3A_222, %get3A_223] : memref<16x128xf32, #tpu.memory_space<vmem>>, vector<16x128xf32>
    %dot_general3A = arith.constant dense<0.000000e+00> : vector<512x128xf32>
    %dot_general3A_225 = tpu.matmul %concatenate3A, %get3A_224, %dot_general3A {dimension_numbers = #tpu.dot_dimension_numbers<[0], [0], [1], [1], [0, 1, 1, 1], [], []>, precision = #tpu.contract_precision<fp32>, transpose_lhs_hint = false} : vector<16x512xf32>, vector<16x128xf32>, vector<512x128xf32> -> vector<512x128xf32>
    %swap3A = arith.constant 0 : index
    %swap3A_226 = arith.constant 0 : index
    %swap3A_227 = vector.load %arg4[%swap3A, %swap3A_226] : memref<512x128xf32, #tpu.memory_space<vmem>>, vector<512x128xf32>
    tpu.vector_store %arg4[%swap3A, %swap3A_226], %dot_general3A_225 {strides = array<i32>} : memref<512x128xf32, #tpu.memory_space<vmem>>, vector<512x128xf32>,
    return
  }
  func.func @transform_0(%arg0: i32) -> (i32, i32) {
    %c0_i32 = arith.constant 0 : i32
    %c0_i32_0 = arith.constant 0 : i32
    %c0_i32_1 = arith.constant 0 : i32
    return %c0_i32, %c0_i32_0 : i32, i32
  }
  func.func @transform_1(%arg0: i32) -> (i32, i32) {
    %c0_i32 = arith.constant 0 : i32
    %c0_i32_0 = arith.constant 0 : i32
    return %c0_i32, %arg0 : i32, i32
  }
  func.func @transform_2(%arg0: i32) -> (i32, i32) {
    %c0_i32 = arith.constant 0 : i32
    %c0_i32_0 = arith.constant 0 : i32
    %c0_i32_1 = arith.constant 0 : i32
    return %c0_i32, %c0_i32_0 : i32, i32
  }
  func.func @transform_3(%arg0: i32) -> (i32, i32) {
    %c0_i32 = arith.constant 0 : i32
    %c0_i32_0 = arith.constant 0 : i32
    return %arg0, %c0_i32 : i32, i32
  }
}

module attributes {stable_mosaic.version = 14 : i64} {
  func.func @_tc_mlp_body(%arg0: i32, %arg1: memref<512x128xf32, #tpu.memory_space<vmem>>, %arg2: memref<512x128xf32, #tpu.memory_space<vmem>>, %arg3: memref<512x128xf32, #tpu.memory_space<vmem>>, %arg4: memref<128x128xf32, #tpu.memory_space<vmem>>, %arg5: memref<128x128xf32, #tpu.memory_space<vmem>>, %arg6: memref<128x128xf32, #tpu.memory_space<vmem>>, %arg7: memref<128x128xf32, #tpu.memory_space<vmem>>, %arg8: memref<1x128xf32, #tpu.memory_space<vmem>>, %arg9: memref<1x128xf32, #tpu.memory_space<vmem>>, %arg10: memref<512x128xf32, #tpu.memory_space<vmem>>) attributes {dimension_semantics = [#tpu.dimension_semantics<arbitrary>], iteration_bounds = array<i64: 20>, scalar_prefetch = 0 : i64, scratch_operands = 0 : i64, tpu.core_type = #tpu.core_type<tc>, window_params = [{transform_indices = @transform_0, window_bounds = array<i64: 512, 128>}, {transform_indices = @transform_1, window_bounds = array<i64: 512, 128>}, {transform_indices = @transform_2, window_bounds = array<i64: 512, 128>}, {pipeline_mode = #tpu.pipeline_mode<synchronous>, transform_indices = @transform_3, window_bounds = array<i64: 128, 128>}, {pipeline_mode = #tpu.pipeline_mode<synchronous>, transform_indices = @transform_4, window_bounds = array<i64: 128, 128>}, {pipeline_mode = #tpu.pipeline_mode<synchronous>, transform_indices = @transform_5, window_bounds = array<i64: 128, 128>}, {pipeline_mode = #tpu.pipeline_mode<synchronous>, transform_indices = @transform_6, window_bounds = array<i64: 128, 128>}, {pipeline_mode = #tpu.pipeline_mode<synchronous>, transform_indices = @transform_7, window_bounds = array<i64: 1, 128>}, {pipeline_mode = #tpu.pipeline_mode<synchronous>, transform_indices = @transform_8, window_bounds = array<i64: 1, 128>}, {transform_indices = @transform_9, window_bounds = array<i64: 512, 128>}]} {
    %get3A = arith.constant 0 : index
    %get3A_0 = arith.constant 0 : index
    %get3A_1 = vector.load %arg2[%get3A, %get3A_0] : memref<512x128xf32, #tpu.memory_space<vmem>>, vector<512x128xf32>
    %get3A_2 = arith.constant 0 : index
    %get3A_3 = arith.constant 0 : index
    %get3A_4 = vector.load %arg4[%get3A_2, %get3A_3] : memref<128x128xf32, #tpu.memory_space<vmem>>, vector<128x128xf32>
    %dot_general3A = arith.constant dense<0.000000e+00> : vector<512x128xf32>
    %dot_general3A_5 = tpu.matmul %get3A_1, %get3A_4, %dot_general3A {dimension_numbers = #tpu.dot_dimension_numbers<[1], [0], [0], [1], [0, 0, 1, 1], [], []>, precision = #tpu.contract_precision<fp32>, transpose_lhs_hint = false} : vector<512x128xf32>, vector<128x128xf32>, vector<512x128xf32> -> vector<512x128xf32>
    %get3A_6 = arith.constant 0 : index
    %get3A_7 = arith.constant 0 : index
    %get3A_8 = vector.load %arg3[%get3A_6, %get3A_7] : memref<512x128xf32, #tpu.memory_space<vmem>>, vector<512x128xf32>
    %add3A = arith.addf %dot_general3A_5, %get3A_8 : vector<512x128xf32>
    %get3A_9 = arith.constant 0 : index
    %get3A_10 = arith.constant 0 : index
    %get3A_11 = vector.load %arg1[%get3A_9, %get3A_10] : memref<512x128xf32, #tpu.memory_space<vmem>>, vector<512x128xf32>
    %get3A_12 = arith.constant 0 : index
    %get3A_13 = arith.constant 0 : index
    %get3A_14 = vector.load %arg5[%get3A_12, %get3A_13] : memref<128x128xf32, #tpu.memory_space<vmem>>, vector<128x128xf32>
    %dot_general3A_15 = arith.constant dense<0.000000e+00> : vector<512x128xf32>
    %dot_general3A_16 = tpu.matmul %get3A_11, %get3A_14, %dot_general3A_15 {dimension_numbers = #tpu.dot_dimension_numbers<[1], [0], [0], [1], [0, 0, 1, 1], [], []>, precision = #tpu.contract_precision<fp32>, transpose_lhs_hint = false} : vector<512x128xf32>, vector<128x128xf32>, vector<512x128xf32> -> vector<512x128xf32>
    %get3A_17 = arith.constant 0 : index
    %get3A_18 = arith.constant 0 : index
    %get3A_19 = vector.load %arg6[%get3A_17, %get3A_18] : memref<128x128xf32, #tpu.memory_space<vmem>>, vector<128x128xf32>
    %dot_general3A_20 = arith.constant dense<0.000000e+00> : vector<512x128xf32>
    %dot_general3A_21 = tpu.matmul %add3A, %get3A_19, %dot_general3A_20 {dimension_numbers = #tpu.dot_dimension_numbers<[1], [0], [0], [1], [0, 0, 1, 1], [], []>, precision = #tpu.contract_precision<fp32>, transpose_lhs_hint = false} : vector<512x128xf32>, vector<128x128xf32>, vector<512x128xf32> -> vector<512x128xf32>
    %add3A_22 = arith.addf %dot_general3A_16, %dot_general3A_21 : vector<512x128xf32>
    %get3A_23 = arith.constant 0 : index
    %get3A_24 = arith.constant 0 : index
    %get3A_25 = vector.load %arg8[%get3A_23, %get3A_24] : memref<1x128xf32, #tpu.memory_space<vmem>>, vector<1x128xf32>
    %add3A_26 = vector.broadcast %get3A_25 : vector<1x128xf32> to vector<512x128xf32>
    %add3A_27 = arith.addf %add3A_22, %add3A_26 : vector<512x128xf32>
    %max3A = arith.constant 0.000000e+00 : f32
    %max3A_28 = vector.broadcast %max3A : f32 to vector<512x128xf32>
    %max3A_29 = arith.maximumf %add3A_27, %max3A_28 : vector<512x128xf32>
    %get3A_30 = arith.constant 0 : index
    %get3A_31 = arith.constant 0 : index
    %get3A_32 = vector.load %arg7[%get3A_30, %get3A_31] : memref<128x128xf32, #tpu.memory_space<vmem>>, vector<128x128xf32>
    %dot_general3A_33 = arith.constant dense<0.000000e+00> : vector<512x128xf32>
    %dot_general3A_34 = tpu.matmul %max3A_29, %get3A_32, %dot_general3A_33 {dimension_numbers = #tpu.dot_dimension_numbers<[1], [0], [0], [1], [0, 0, 1, 1], [], []>, precision = #tpu.contract_precision<fp32>, transpose_lhs_hint = false} : vector<512x128xf32>, vector<128x128xf32>, vector<512x128xf32> -> vector<512x128xf32>
    %get3A_35 = arith.constant 0 : index
    %get3A_36 = arith.constant 0 : index
    %get3A_37 = vector.load %arg9[%get3A_35, %get3A_36] : memref<1x128xf32, #tpu.memory_space<vmem>>, vector<1x128xf32>
    %add3A_38 = vector.broadcast %get3A_37 : vector<1x128xf32> to vector<512x128xf32>
    %add3A_39 = arith.addf %dot_general3A_34, %add3A_38 : vector<512x128xf32>
    %swap3A = arith.constant 0 : index
    %swap3A_40 = arith.constant 0 : index
    %swap3A_41 = vector.load %arg10[%swap3A, %swap3A_40] : memref<512x128xf32, #tpu.memory_space<vmem>>, vector<512x128xf32>
    tpu.vector_store %arg10[%swap3A, %swap3A_40], %add3A_39 {strides = array<i32>} : memref<512x128xf32, #tpu.memory_space<vmem>>, vector<512x128xf32>,
    return
  }
  func.func @transform_0(%arg0: i32) -> (i32, i32) {
    %c0_i32 = arith.constant 0 : i32
    %c0_i32_0 = arith.constant 0 : i32
    return %arg0, %c0_i32 : i32, i32
  }
  func.func @transform_1(%arg0: i32) -> (i32, i32) {
    %c0_i32 = arith.constant 0 : i32
    %c0_i32_0 = arith.constant 0 : i32
    return %arg0, %c0_i32 : i32, i32
  }
  func.func @transform_2(%arg0: i32) -> (i32, i32) {
    %c0_i32 = arith.constant 0 : i32
    %c0_i32_0 = arith.constant 0 : i32
    return %arg0, %c0_i32 : i32, i32
  }
  func.func @transform_3(%arg0: i32) -> (i32, i32) {
    %c0_i32 = arith.constant 0 : i32
    %c0_i32_0 = arith.constant 0 : i32
    %c0_i32_1 = arith.constant 0 : i32
    return %c0_i32, %c0_i32_0 : i32, i32
  }
  func.func @transform_4(%arg0: i32) -> (i32, i32) {
    %c0_i32 = arith.constant 0 : i32
    %c0_i32_0 = arith.constant 0 : i32
    %c0_i32_1 = arith.constant 0 : i32
    return %c0_i32, %c0_i32_0 : i32, i32
  }
  func.func @transform_5(%arg0: i32) -> (i32, i32) {
    %c0_i32 = arith.constant 0 : i32
    %c0_i32_0 = arith.constant 0 : i32
    %c0_i32_1 = arith.constant 0 : i32
    return %c0_i32, %c0_i32_0 : i32, i32
  }
  func.func @transform_6(%arg0: i32) -> (i32, i32) {
    %c0_i32 = arith.constant 0 : i32
    %c0_i32_0 = arith.constant 0 : i32
    %c0_i32_1 = arith.constant 0 : i32
    return %c0_i32, %c0_i32_0 : i32, i32
  }
  func.func @transform_7(%arg0: i32) -> (i32, i32) {
    %c0_i32 = arith.constant 0 : i32
    %c0_i32_0 = arith.constant 0 : i32
    %c0_i32_1 = arith.constant 0 : i32
    return %c0_i32, %c0_i32_0 : i32, i32
  }
  func.func @transform_8(%arg0: i32) -> (i32, i32) {
    %c0_i32 = arith.constant 0 : i32
    %c0_i32_0 = arith.constant 0 : i32
    %c0_i32_1 = arith.constant 0 : i32
    return %c0_i32, %c0_i32_0 : i32, i32
  }
  func.func @transform_9(%arg0: i32) -> (i32, i32) {
    %c0_i32 = arith.constant 0 : i32
    %c0_i32_0 = arith.constant 0 : i32
    return %arg0, %c0_i32 : i32, i32
  }
}

</mosaic_0001>

<sc_bundles>
// kernel: kernel.5.cloned.1.call-start
scs
__scs_entry_jumppad:
0x0: {  	(pc) =	sbr.rel $0x88, $3  }
0x1: {  	(tag) =	ssettag $0x0;
	lr =	simm.s32 $0x1  }
0x2: {  	[smem:$0x3F92] =	sst lr;
	_ =	strace $0xD0000000  }
0x3: {  	_ = 	snop  }
0x4: {  	_ = 	snop  }
0x5: {  	_ = 	snop  }
0x6: {  	_ = 	snop  }
0x7: {  	_ = 	snop  }
__scs_overlays_trampoline_lowered:
0x8: {  	[smem:$0x3FA1] =	sst s0  }
0x9: {  	[smem:$0x3FA2] =	sst s1  }
0xa: {  	[smem:$0x3FA3] =	sst s2  }
0xb: {  	[smem:$0x3FA4] =	sst s3  }
0xc: {  	[smem:$0x3FA5] =	sst s4  }
0xd: {  	[smem:$0x3FA6] =	sst s5  }
0xe: {  	[smem:$0x3FA7] =	sst s6  }
0xf: {  	[smem:$0x3FA8] =	sst s7  }
0x10: {  	[smem:$0x3FA9] =	sst s8  }
0x11: {  	[smem:$0x3FAA] =	sst s9;
	s0 =	simm.s32 @!p0 $0x0  }
0x12: {  	s1 =	sld [smem:$0x3F90];
	s0 =	simm.s32 @p0 $0x1  }
0x13: {  	[smem:$0x3FAB] =	sst s0;
	s0 =	simm.s32 @!p1 $0x0  }
0x14: {  	s2 =	sld [smem:$0x3F8F];
	s0 =	simm.s32 @p1 $0x1  }
0x15: {  	[smem:$0x3FAC] =	sst s0;
	s0 =	simm.s32 @!p2 $0x0  }
0x16: {  	s3 =	sld [smem:$0x3FDB];
	s0 =	simm.s32 @p2 $0x1  }
0x17: {  	s4 =	simm.s32 $0x1BF5;
	[smem:$0x3FAE] =	sst s0  }
0x18: {  	s0 =	sld [smem:$0x3F91];
	_ =	swait.ge [sflag:s4], $0x0  }
0x19: {  	s7 =	sld [smem:$0x3F92]  }
0x1a: {  	s8 =	sadd.s32 $0xFFFFE003, lr  }
0x1b: {  	s9 =	sadd.s32 $0xFFFFFEF7, lr;
	s5 =	simm.s32 $0xFFFFFFFF;
	p2 =	slt.u32 s8, $0xFFFFF086  }
0x1c: {  	p1 =	slt.u32 s9, $0xF7A;
	s5 =	simm.s32 @!p2 $0x0  }
0x1d: {  	s5 =	simm.s32 @p1 $0x1;
	p0 =	seq.s32 s7, s2  }
0x1e: {  	s7 =	smul.u32 @!p0 $0xF7A, s2;
	p2 =	seq.s32 @!p0 s5, $0x0  }
0x1f: {  	s9 =	smul.u32 $0xF7A, s1;
	s8 =	simm.s32 @!p0 $0x1BF5;
	p2 =	por !p2, p0  }
0x20: {  	[sflag:s8] =	ssyncset.s32 @!p0 $0xFFFFF086;
	s6 =	sadd.s32 @!p0 s3, s7;
	s7 =	simm.s32 @!p0 $0x108  }
0x21: {  	s3 =	sadd.s32 s3, s9;
	s6 =	sadd.s32 @!p0 $0x88, s6;
	s7 =	simm.s32 @p2 $0x1082  }
0x22: {  	[simem:s7], [sflag:s8] =	dma.local @!p0 [hbm:s6], $0xF7A  }
0x23: {  	s9 =	sor.u32 $0xD0000000, s2;
	s6 =	simm.s32 $0x108;
	_ =	swait.ge @!p0 [sflag:s8], $0x0  }
0x24: {  	s3 =	sadd.s32 $0x88, s3;
	s6 =	simm.s32 @!p1 $0x1082;
	[sflag:s4] =	ssyncset.s32 $0xFFFFF086  }
0x25: {  	[simem:s6], [sflag:s4] =	dma.local [hbm:s3], $0xF7A  }
0x26: {  	[smem:$0x3F92] =	sst s1;
	(tag) =	ssettag s2;
	_ =	strace s9  }
0x27: {  	s1 =	sld [smem:$0x3FA2]  }
0x28: {  	s2 =	sld [smem:$0x3FA3]  }
0x29: {  	s4 =	sld [smem:$0x3FA5]  }
0x2a: {  	p0 =	seq.s32 s5, $0x0;
	s5 =	sld [smem:$0x3FA6]  }
0x2b: {  	s6 =	sld [smem:$0x3FA7]  }
0x2c: {  	s7 =	sld [smem:$0x3FA8]  }
0x2d: {  	s3 =	simm.s32 $0x108;
	s8 =	sld [smem:$0x3FA9]  }
0x2e: {  	s3 =	simm.s32 @!p0 $0x1082;
	s9 =	sld [smem:$0x3FAA]  }
0x2f: {  	lr =	sadd.s32 s0, s3;
	s0 =	sld [smem:$0x3FA1]  }
0x30: {  	s3 =	sld [smem:$0x3FA4]  }
0x31: {  	[smem:$0x3FAD] =	sst s10  }
0x32: {  	s10 =	sld [smem:$0x3FAB];
	_ =	sdelay $0x3  }
0x33: {  	p0 =	seq.s32 s10, $0x1;
	s10 =	sld [smem:$0x3FAD];
	_ =	sdelay $0x3  }
0x34: {  	[smem:$0x3FAD] =	sst s10  }
0x35: {  	s10 =	sld [smem:$0x3FAC];
	_ =	sdelay $0x3  }
0x36: {  	p1 =	seq.s32 s10, $0x1;
	s10 =	sld [smem:$0x3FAD];
	_ =	sdelay $0x3  }
0x37: {  	[smem:$0x3FAD] =	sst s10  }
0x38: {  	s10 =	sld [smem:$0x3FAE]  }
0x39: {  	_ = 	snop;
	(pc) =	sbr.ind lr, $3  }
0x3a: {  	_ = 	snop  }
0x3b: {  	_ = 	snop  }
0x3c: {  	p2 =	seq.s32 s10, $0x1;
	s10 =	sld [smem:$0x3FAD]  }
0x3d: {  	_ =	shalt  }
0x3e: {  	_ =	shalt  }
0x3f: {  	_ =	shalt  }
0x40: {  	_ =	shalt  }
0x41: {  	_ =	shalt  }
0x42: {  	_ =	shalt  }
0x43: {  	_ =	shalt  }
0x44: {  	_ =	shalt  }
0x45: {  	_ =	shalt  }
0x46: {  	_ =	shalt  }
0x47: {  	_ =	shalt  }
0x48: {  	_ =	shalt  }
0x49: {  	_ =	shalt  }
0x4a: {  	_ =	shalt  }
0x4b: {  	_ =	shalt  }
0x4c: {  	_ =	shalt  }
0x4d: {  	_ =	shalt  }
0x4e: {  	_ =	shalt  }
0x4f: {  	_ =	shalt  }
0x50: {  	_ =	shalt  }
0x51: {  	_ =	shalt  }
0x52: {  	_ =	shalt  }
0x53: {  	_ =	shalt  }
0x54: {  	_ =	shalt  }
0x55: {  	_ =	shalt  }
0x56: {  	_ =	shalt  }
0x57: {  	_ =	shalt  }
0x58: {  	_ =	shalt  }
0x59: {  	_ =	shalt  }
0x5a: {  	_ =	shalt  }
0x5b: {  	_ =	shalt  }
0x5c: {  	_ =	shalt  }
0x5d: {  	_ =	shalt  }
0x5e: {  	_ =	shalt  }
0x5f: {  	_ =	shalt  }
0x60: {  	_ =	shalt  }
0x61: {  	_ =	shalt  }
0x62: {  	_ =	shalt  }
0x63: {  	_ =	shalt  }
0x64: {  	_ =	shalt  }
0x65: {  	_ =	shalt  }
0x66: {  	_ =	shalt  }
0x67: {  	_ =	shalt  }
0x68: {  	_ =	shalt  }
0x69: {  	_ =	shalt  }
0x6a: {  	_ =	shalt  }
0x6b: {  	_ =	shalt  }
0x6c: {  	_ =	shalt  }
0x6d: {  	_ =	shalt  }
0x6e: {  	_ =	shalt  }
0x6f: {  	_ =	shalt  }
0x70: {  	_ =	shalt  }
0x71: {  	_ =	shalt  }
0x72: {  	_ =	shalt  }
0x73: {  	_ =	shalt  }
0x74: {  	_ =	shalt  }
0x75: {  	_ =	shalt  }
0x76: {  	_ =	shalt  }
0x77: {  	_ =	shalt  }
0x78: {  	_ =	shalt  }
0x79: {  	_ =	shalt  }
0x7a: {  	_ =	shalt  }
0x7b: {  	_ =	shalt  }
0x7c: {  	_ =	shalt  }
0x7d: {  	_ =	shalt  }
0x7e: {  	_ =	shalt  }
0x7f: {  	_ =	shalt  }
0x80: {  	_ =	shalt  }
0x81: {  	_ =	shalt  }
0x82: {  	_ =	shalt  }
0x83: {  	_ =	shalt  }
0x84: {  	_ =	shalt  }
0x85: {  	_ =	shalt  }
0x86: {  	_ =	shalt  }
0x87: {  	_ =	shalt  }
.Lfunc_end0:
.L_simem_size_0:
called_computation_lowered:
.L_overlay_start_0:
0x88: {  	s2 =	sld [smem:$0x3FD9]  }
0x89: {  	s3 =	sld [smem:$0x3FFE];
	_ =	sdelay $0x1  }
0x8a: {  	s1 =	srdreg.scid  }
0x8b: {  	s0 =	sand.u32 $0x1, s1  }
0x8c: {  	s17 =	sshll.u32 s0, $0xA;
	s2 =	sadd.s32 s3, s2  }
0x8d: {  	s2 =	sadd.s32 s2, s17  }
0x8e: {  	[smem:$0x3FB9] =	sst s2  }
0x8f: {  	_ = 	snop  }
0x90: {  	s2 =	sld [smem:$0x3FC9]  }
0x91: {  	s18 =	sld [smem:$0x3FD0];
	(tm) =	ssettm $0x1  }
0x92: {  	s4 =	sld [smem:$0x3FFB];
	_ =	sdelay $0x3  }
0x93: {  	_ =	strace s4  }
0x94: {  	s4 =	sld [smem:$0x3FFC];
	_ =	sdelay $0x3  }
0x95: {  	_ =	strace s4  }
0x96: {  	s4 =	sld [smem:$0x3FFD];
	_ =	sdelay $0x3  }
0x97: {  	_ =	strace s4  }
0x98: {  	_ =	strace $0x8FFFFFFF  }
0x99: {  	s19 =	sld [smem:$0x3FDB];
	_ =	sdelay $0x1  }
0x9a: {  	s5 =	simm.s32 $_scs_section_size  }
0x9b: {  	s6 =	simm.s32 $_size__tile_overlayer_lowered;
	s7 =	simm.s32 $_tile_overlayer_lowered  }
0x9c: {  	s22 =	simm.s32 $0x1BFF;
	s21 =	sshll.u32 s7, $0x1;
	s4 =	sadd.s32 s5, s19  }
0x9d: {  	s8 =	simm.s32 $0x0;
	s20 =	sshll.u32 s6, $0x1;
	s6 =	sadd.s32 s21, s4  }
0x9e: {  	[timem:s8], [sflag:s22] =	dma.local [hbm:s6], s20  }
0x9f: {  	_ =	swait.ge [sflag:s22], s20  }
0xa0: {  	s5 =	ssub.s32 $0x0, s20;
	[sflag:s22] =	ssyncset.done $0x0  }
0xa1: {  	[sflag:s22] =	ssyncadd.s32 s5;
	_ =	sdelay $0x1  }
0xa2: {  	s23 =	simm.s32 $0x1B8B  }
0xa3: {  	_ =	swait.ge [sflag:s23], $0x1  }
0xa4: {  	[sflag:s23] =	ssyncset.done $0x0  }
0xa5: {  	s25 =	simm.s32 $0x1B8E;
	s24 =	sld [smem:$0x3FFE];
	[sflag:s23] =	ssyncadd.s32 $0xFFFFFFFF  }
0xa6: {  	s26 =	simm.s32 $execute0_lowered;
	[smem:$0x3FD2] =	sst s25  }
0xa7: {  	s6 =	sshll.u32 s26, $0x1;
	_ =	strace $0x80000046;
	[dreg:$0x1] =	wrdreg $0xFFFFFFFF  }
0xa8: {  	s28 =	simm.s32 $_size_execute0_lowered;
	s4 =	sadd.s32 s4, s6;
	[dreg:$0x0] =	wrdreg $0x0  }
0xa9: {  	s6 =	sshll.u32 s28, $0x1;
	[dreg:$0x2] =	wrdreg s4  }
0xaa: {  	[dreg:$0x3] =	wrdreg s6  }
0xab: {  	[dreg:$0x4] =	wrdreg $0xC0  }
0xac: {  	_ =	task [dreg:s8], $0x5FFFF  }
0xad: {  	[dreg:$0x1] =	wrdreg $0xFFFFFFFF  }
0xae: {  	[dreg:$0x0] =	wrdreg $0x60  }
0xaf: {  	[dreg:$0x2] =	wrdreg s2  }
0xb0: {  	[dreg:$0x3] =	wrdreg s18  }
0xb1: {  	[dreg:$0x4] =	wrdreg s24  }
0xb2: {  	[dreg:$0x5] =	wrdreg $0x9  }
0xb3: {  	_ =	task.clear_ibuf [dreg:s8], $0x6FFFF;
	_ =	strace $0x90000046  }
0xb4: {  	s29 =	simm.s32 $0x9;
	_ =	strace $0x80000048  }
0xb5: {  	_ =	swait.ge [sflag:s29], $0x1  }
0xb6: {  	[sflag:s29] =	ssyncadd.s32 $0xFFFFFFFF  }
0xb7: {  	_ =	strace $0x90000048  }
0xb8: {  	_ =	sfence  }
0xb9: {  	s30 =	sld [smem:$0x0];
	_ =	sdelay $0x2  }
0xba: {  	s31 =	sshll.u32 s1, $0xD;
	s1 =	sshrl.u32 s1, $0x2  }
0xbb: {  	s3 =	sand.u32 $0x4000, s31;
	s1 =	sadd.s32 s1, s30  }
0xbc: {  	s0 =	sor.u32 s3, s0;
	s1 =	sshll.u32 s1, $0x11  }
0xbd: {  	s0 =	sor.u32 s1, s0  }
0xbe: {  	s0 =	sadd.s32 $0x8F2B, s0  }
0xbf: {  	[sflag:s0] =	ssyncadd.remote.s32 $0x1  }
0xc0: {  	_ =	sfence.sel $0xFFFF  }
0xc1: {  	[dreg:$0x0] =	wrdreg $0xFFFFFFFF;
	(pc) =	sbr.abs _section_cstart, $3  }
0xc2: {  	[dreg:$0x1] =	wrdreg $0xFFFFFFFF  }
0xc3: {  	_ =	task.clear_ibuf [dreg:s8], $0x2FFFF;
	_ =	strace $0x9FFFFFFF  }
0xc4: {  	(tm) =	ssettm $0x7FFFFFFF  }
0xc5: {  	_ =	shalt  }
tec
execute0_lowered:
.L_overlay_start_1:
0x0: {  	(tag) =	ssettag $0x1  }
0x1: {  	s2 =	rddreg [dreg:$0x0]  }
0x2: {  	s0 =	rddreg [dreg:$0x1]  }
0x3: {  	s1 =	rddreg [dreg:$0x2]  }
0x4: {  	s3 =	srdreg.scid;
	s5 =	stileid.u32  }
0x5: {  	s9 =	simm.s32 $0x80;
	s10 =	simm.s32 $0x2800;
	s11 =	simm.s32 $0x6800  }
0x6: {  	s13 =	simm.s32 $0xA800;
	s15 =	simm.s32 $0xE800;
	s16 =	simm.s32 $0x1  }
0x7: {  	s17 =	simm.s32 $0x12800;
	s18 =	simm.s32 $0x2;
	s19 =	simm.s32 $0x12C00  }
0x8: {  	s20 =	simm.s32 $0x3;
	s21 =	simm.s32 $0x4;
	s22 =	simm.s32 $0x0  }
0x9: {  	s4 =	sand.u32 $0x1, s3;
	s5 =	sshll.u32 s5, $0x1;
	s3 =	simm.s32 $0x0  }
0xa: {  	s6 =	ssub.s32 $0x2, s4;
	s5 =	sor.u32 s4, s5;
	[smem:$0x7FF] =	sst s3  }
0xb: {  	s4 =	sadd.s32 $0x2600, s1;
	s7 =	sshrl.u32 s6, $0x1;
	s8 =	smul.u32 $0x500, s5  }
0xc: {  	_ =	strace $0x80000047;
	s5 =	smul.u32 $0x28, s5;
	s31 =	ssub.s32 s6, s7  }
0xd: {  	s6 =	sadd.s32 s0, s8;
	s7 =	smax.u32 s31, $0x1;
	s8 =	simm.s32 $0x5  }
.LBB2_1:
0xe: {  	[tilespmem:s3], [sflag:$0x5] =	stream.linear.gather [hbm4b:s6+s3], $0x2800, $0x38;
	[tilespmem:$0x13000] =	vst v63  }
0xf: {  	_ =	swait.ge [sflag:s8], $0x2800  }
0x10: {  	[sflag:s8] =	ssyncset.done $0x0  }
0x11: {  	[sflag:s8] =	ssyncadd.s32 $0xFFFFD800  }
0x12: {  	[tilespmem:s10], [sflag:$0x1] =	stream.indirect.gather [hbm4b:s2+s9], $0x80, s3, s9, $0xb8;
	[tilespmem:$0x13000] =	vst v63  }
0x13: {  	_ = 	snop  }
0x14: {  	[tilespmem:s11], [sflag:$0x1] =	stream.indirect.gather [hbm4b:s2+s9], $0x80, s9, s9, $0xb8;
	[tilespmem:$0x13000] =	vst v63  }
0x15: {  	s0 =	simm.s32 $0x100  }
0x16: {  	[tilespmem:s13], [sflag:$0x2] =	stream.indirect.gather [hbm4b:s2+s9], $0x80, s0, s9, $0xb8;
	[tilespmem:$0x13000] =	vst v63  }
0x17: {  	s31 =	simm.s32 $0x180;
	s23 =	simm.s32 $0x0  }
0x18: {  	[tilespmem:s15], [sflag:$0x2] =	stream.indirect.gather [hbm4b:s2+s9], $0x80, s31, s9, $0xb8;
	[tilespmem:$0x13000] =	vst v63  }
.LBB2_2:
0x19: {  	_ =	swait.ge [sflag:s16], $0x4000  }
0x1a: {  	[sflag:s16] =	ssyncset.done $0x0  }
0x1b: {  	[sflag:s16] =	ssyncadd.s32 $0xFFFFC000  }
0x1c: {  	_ =	swait.ge [sflag:s16], $0x4000  }
0x1d: {  	p0 =	seq.s32 s23, $0x0;
	[sflag:s16] =	ssyncset.done $0x0  }
0x1e: {  	s0 =	simm.s32 @!p0 $0x3;
	[sflag:s16] =	ssyncadd.s32 $0xFFFFC000  }
0x1f: {  	s25 =	simm.s32 $0x0;
	s1 =	simm.s32 $0x0;
	_ =	swait.ge @!p0 [sflag:s0], $0x400  }
0x20: {  	s28 =	sand.u32 $0x70, s25;
	s26 =	sand.u32 $0x3FFFF000, s1;
	[sflag:s0] =	ssyncset.done @!p0 $0x0  }
0x21: {  	s24 =	sshll.u32 s23, $0x1;
	s30 =	sor.u32 s28, s26;
	[sflag:s0] =	ssyncadd.s32 @!p0 $0xFFFFFC00  }
0x22: {  	s31 =	simm.s32 $0x1;
	s29 =	simm.s32 $0x0;
	s0 =	simm.s32 $0x0;
	v0 =	vld [tilespmem:s30+$0x2900]  }
.LBB2_3:
0x23: {  	p1 =	sne.s32 s31, $0x1F;
	v1 =	vld [tilespmem:s30+$0x2800]  }
0x24: {  	v2 =	vld [tilespmem:s30+$0x2880]  }
0x25: {  	v3 =	vld [tilespmem:s30+$0x2980]  }
0x26: {  	v4 =	vld [tilespmem:s30+$0x2A00]  }
0x27: {  	v5 =	vld [tilespmem:s30+$0x2A80]  }
0x28: {  	v6 =	vld [tilespmem:s30+$0x2B00]  }
0x29: {  	v7 =	vld [tilespmem:s30+$0x2B80]  }
0x2a: {  	v0 =	vadd.f32 v0, v1;
	v1 =	vadd.f32 v3, v2;
	v2 =	vld [tilespmem:s30+$0x2C00]  }
0x2b: {  	v3 =	vld [tilespmem:s30+$0x2C80]  }
0x2c: {  	v0 =	vadd.f32 v4, v0;
	v1 =	vadd.f32 v5, v1;
	v4 =	vld [tilespmem:s30+$0x2D00]  }
0x2d: {  	v5 =	vld [tilespmem:s30+$0x2D80]  }
0x2e: {  	v0 =	vadd.f32 v6, v0;
	v1 =	vadd.f32 v7, v1;
	v6 =	vld [tilespmem:s30+$0x2E00]  }
0x2f: {  	v7 =	vld [tilespmem:s30+$0x2E80]  }
0x30: {  	v0 =	vadd.f32 v2, v0;
	v1 =	vadd.f32 v3, v1;
	v2 =	vld [tilespmem:s30+$0x2F00]  }
0x31: {  	v3 =	vld [tilespmem:s30+$0x2F80]  }
0x32: {  	v0 =	vadd.f32 v4, v0;
	v1 =	vadd.f32 v5, v1;
	v4 =	vld [tilespmem:s30+$0x3000]  }
0x33: {  	v5 =	vld [tilespmem:s30+$0x3080]  }
0x34: {  	v0 =	vadd.f32 v6, v0;
	v1 =	vadd.f32 v7, v1;
	v6 =	vld [tilespmem:s30+$0x3100]  }
0x35: {  	v7 =	vld [tilespmem:s30+$0x3180]  }
0x36: {  	v0 =	vadd.f32 v2, v0;
	v1 =	vadd.f32 v3, v1;
	v2 =	vld [tilespmem:s30+$0x3200]  }
0x37: {  	v3 =	vld [tilespmem:s30+$0x3280]  }
0x38: {  	v0 =	vadd.f32 v4, v0;
	v1 =	vadd.f32 v5, v1;
	v4 =	vld [tilespmem:s30+$0x3300]  }
0x39: {  	v5 =	vld [tilespmem:s30+$0x3380]  }
0x3a: {  	v0 =	vadd.f32 v6, v0;
	v1 =	vadd.f32 v7, v1;
	v6 =	vld [tilespmem:s30+$0x3400]  }
0x3b: {  	v7 =	vld [tilespmem:s30+$0x3480]  }
0x3c: {  	v0 =	vadd.f32 v2, v0;
	v1 =	vadd.f32 v3, v1;
	v2 =	vld [tilespmem:s30+$0x3500]  }
0x3d: {  	v3 =	vld [tilespmem:s30+$0x3580]  }
0x3e: {  	v0 =	vadd.f32 v4, v0;
	v1 =	vadd.f32 v5, v1;
	v4 =	vld [tilespmem:s30+$0x3600]  }
0x3f: {  	v5 =	vld [tilespmem:s30+$0x3680]  }
0x40: {  	v0 =	vadd.f32 v6, v0;
	v1 =	vadd.f32 v7, v1;
	v6 =	vld [tilespmem:s30+$0x3700]  }
0x41: {  	v7 =	vld [tilespmem:s30+$0x3780]  }
0x42: {  	v0 =	vadd.f32 v2, v0;
	v1 =	vadd.f32 v3, v1;
	_ =	sdelay $0x1  }
0x43: {  	v0 =	vadd.f32 v4, v0;
	v1 =	vadd.f32 v5, v1;
	_ =	sdelay $0x1  }
0x44: {  	v0 =	vadd.f32 v6, v0;
	v1 =	vadd.f32 v7, v1  }
.Ltmp0:
0x45: {  	s1 =	sshll.u32 s29, $0x4;
	s29 =	smov.u32 s31;
	(pc) =	sbr.rel @p1 .LBB2_3-.Ltmp0, $4  }
0x46: {  	s0 =	sadd.s32 $0x10, s0;
	s1 =	sand.u32 $0x3FFFFF80, s1;
	s30 =	sshll.u32 s31, $0x9;
	v0 =	vadd.f32 v1, v0  }
0x47: {  	s1 =	sor.u32 s28, s1;
	s28 =	sand.u32 $0x70, s0;
	s30 =	sand.u32 $0x3FFFF000, s30  }
0x48: {  	s30 =	sor.u32 s28, s30;
	[tilespmem:s1+$0x12800] =	vst v0  }
0x49: {  	s31 =	sadd.s32 $0x1, s31;
	v0 =	vld [tilespmem:s30+$0x2900]  }
0x4a: {  	v1 =	vld [tilespmem:s30+$0x2800]  }
0x4b: {  	v2 =	vld [tilespmem:s30+$0x2880]  }
0x4c: {  	v3 =	vld [tilespmem:s30+$0x2980]  }
0x4d: {  	v4 =	vld [tilespmem:s30+$0x2A00]  }
0x4e: {  	v5 =	vld [tilespmem:s30+$0x2A80]  }
0x4f: {  	v6 =	vld [tilespmem:s30+$0x2B00]  }
0x50: {  	v7 =	vld [tilespmem:s30+$0x2B80]  }
0x51: {  	v0 =	vadd.f32 v0, v1;
	v1 =	vadd.f32 v3, v2;
	v2 =	vld [tilespmem:s30+$0x2C00]  }
0x52: {  	v3 =	vld [tilespmem:s30+$0x2C80]  }
0x53: {  	v48 =	vld [tilespmem:s30+$0x2D00];
	v0 =	vadd.f32 v4, v0;
	v1 =	vadd.f32 v5, v1  }
0x54: {  	v49 =	vld [tilespmem:s30+$0x2D80]  }
0x55: {  	v50 =	vld [tilespmem:s30+$0x2E00];
	v0 =	vadd.f32 v6, v0;
	v1 =	vadd.f32 v7, v1  }
0x56: {  	v51 =	vld [tilespmem:s30+$0x2E80]  }
0x57: {  	v0 =	vadd.f32 v2, v0;
	v1 =	vadd.f32 v3, v1;
	v2 =	vld [tilespmem:s30+$0x2F00]  }
0x58: {  	v3 =	vld [tilespmem:s30+$0x2F80]  }
0x59: {  	v52 =	vld [tilespmem:s30+$0x3000];
	v0 =	vadd.f32 v48, v0;
	v1 =	vadd.f32 v49, v1  }
0x5a: {  	v53 =	vld [tilespmem:s30+$0x3080]  }
0x5b: {  	v54 =	vld [tilespmem:s30+$0x3100];
	v0 =	vadd.f32 v50, v0;
	v1 =	vadd.f32 v51, v1  }
0x5c: {  	v55 =	vld [tilespmem:s30+$0x3180]  }
0x5d: {  	v0 =	vadd.f32 v2, v0;
	v1 =	vadd.f32 v3, v1;
	v2 =	vld [tilespmem:s30+$0x3200]  }
0x5e: {  	v3 =	vld [tilespmem:s30+$0x3280]  }
0x5f: {  	v56 =	vld [tilespmem:s30+$0x3300];
	v0 =	vadd.f32 v52, v0;
	v1 =	vadd.f32 v53, v1  }
0x60: {  	v57 =	vld [tilespmem:s30+$0x3380]  }
0x61: {  	v58 =	vld [tilespmem:s30+$0x3400];
	v0 =	vadd.f32 v54, v0;
	v1 =	vadd.f32 v55, v1  }
0x62: {  	v59 =	vld [tilespmem:s30+$0x3480]  }
0x63: {  	v0 =	vadd.f32 v2, v0;
	v1 =	vadd.f32 v3, v1;
	v2 =	vld [tilespmem:s30+$0x3500]  }
0x64: {  	v3 =	vld [tilespmem:s30+$0x3580]  }
0x65: {  	v60 =	vld [tilespmem:s30+$0x3600];
	v0 =	vadd.f32 v56, v0;
	v1 =	vadd.f32 v57, v1  }
0x66: {  	v61 =	vld [tilespmem:s30+$0x3680]  }
0x67: {  	v62 =	vld [tilespmem:s30+$0x3700];
	v0 =	vadd.f32 v58, v0;
	v1 =	vadd.f32 v59, v1  }
0x68: {  	v63 =	vld [tilespmem:s30+$0x3780]  }
0x69: {  	v0 =	vadd.f32 v2, v0;
	v1 =	vadd.f32 v3, v1;
	_ =	sdelay $0x1  }
0x6a: {  	v0 =	vadd.f32 v60, v0;
	v1 =	vadd.f32 v61, v1;
	_ =	sdelay $0x1  }
0x6b: {  	v0 =	vadd.f32 v62, v0;
	v1 =	vadd.f32 v63, v1  }
0x6c: {  	s0 =	sshll.u32 s29, $0x4  }
0x6d: {  	s0 =	sand.u32 $0x3FFFFF80, s0;
	v0 =	vadd.f32 v1, v0  }
0x6e: {  	s0 =	sor.u32 s28, s0;
	s28 =	sand.u32 $0x70, s25  }
0x6f: {  	s26 =	sor.u32 s28, s26;
	[tilespmem:s0+$0x12800] =	vst v0  }
0x70: {  	s29 =	simm.s32 $0x0;
	s0 =	simm.s32 $0x1;
	v0 =	vld [tilespmem:s26+$0x6900]  }
.LBB2_5:
0x71: {  	p1 =	sne.s32 s0, $0x1F;
	v1 =	vld [tilespmem:s26+$0x6800]  }
0x72: {  	v2 =	vld [tilespmem:s26+$0x6880]  }
0x73: {  	v3 =	vld [tilespmem:s26+$0x6980]  }
0x74: {  	v4 =	vld [tilespmem:s26+$0x6A00]  }
0x75: {  	v5 =	vld [tilespmem:s26+$0x6A80]  }
0x76: {  	v6 =	vld [tilespmem:s26+$0x6B00]  }
0x77: {  	v7 =	vld [tilespmem:s26+$0x6B80]  }
0x78: {  	v0 =	vadd.f32 v0, v1;
	v1 =	vadd.f32 v3, v2;
	v2 =	vld [tilespmem:s26+$0x6C00]  }
0x79: {  	v3 =	vld [tilespmem:s26+$0x6C80]  }
0x7a: {  	v0 =	vadd.f32 v4, v0;
	v1 =	vadd.f32 v5, v1;
	v4 =	vld [tilespmem:s26+$0x6D00]  }
0x7b: {  	v5 =	vld [tilespmem:s26+$0x6D80]  }
0x7c: {  	v0 =	vadd.f32 v6, v0;
	v1 =	vadd.f32 v7, v1;
	v6 =	vld [tilespmem:s26+$0x6E00]  }
0x7d: {  	v7 =	vld [tilespmem:s26+$0x6E80]  }
0x7e: {  	v0 =	vadd.f32 v2, v0;
	v1 =	vadd.f32 v3, v1;
	v2 =	vld [tilespmem:s26+$0x6F00]  }
0x7f: {  	v3 =	vld [tilespmem:s26+$0x6F80]  }
0x80: {  	v0 =	vadd.f32 v4, v0;
	v1 =	vadd.f32 v5, v1;
	v4 =	vld [tilespmem:s26+$0x7000]  }
0x81: {  	v5 =	vld [tilespmem:s26+$0x7080]  }
0x82: {  	v0 =	vadd.f32 v6, v0;
	v1 =	vadd.f32 v7, v1;
	v6 =	vld [tilespmem:s26+$0x7100]  }
0x83: {  	v7 =	vld [tilespmem:s26+$0x7180]  }
0x84: {  	v0 =	vadd.f32 v2, v0;
	v1 =	vadd.f32 v3, v1;
	v2 =	vld [tilespmem:s26+$0x7200]  }
0x85: {  	v3 =	vld [tilespmem:s26+$0x7280]  }
0x86: {  	v0 =	vadd.f32 v4, v0;
	v1 =	vadd.f32 v5, v1;
	v4 =	vld [tilespmem:s26+$0x7300]  }
0x87: {  	v5 =	vld [tilespmem:s26+$0x7380]  }
0x88: {  	v0 =	vadd.f32 v6, v0;
	v1 =	vadd.f32 v7, v1;
	v6 =	vld [tilespmem:s26+$0x7400]  }
0x89: {  	v7 =	vld [tilespmem:s26+$0x7480]  }
0x8a: {  	v0 =	vadd.f32 v2, v0;
	v1 =	vadd.f32 v3, v1;
	v2 =	vld [tilespmem:s26+$0x7500]  }
0x8b: {  	v3 =	vld [tilespmem:s26+$0x7580]  }
0x8c: {  	v0 =	vadd.f32 v4, v0;
	v1 =	vadd.f32 v5, v1;
	v4 =	vld [tilespmem:s26+$0x7600]  }
0x8d: {  	v5 =	vld [tilespmem:s26+$0x7680]  }
0x8e: {  	v0 =	vadd.f32 v6, v0;
	v1 =	vadd.f32 v7, v1;
	v6 =	vld [tilespmem:s26+$0x7700]  }
0x8f: {  	v7 =	vld [tilespmem:s26+$0x7780]  }
0x90: {  	v0 =	vadd.f32 v2, v0;
	v1 =	vadd.f32 v3, v1;
	_ =	sdelay $0x1  }
0x91: {  	v0 =	vadd.f32 v4, v0;
	v1 =	vadd.f32 v5, v1;
	_ =	sdelay $0x1  }
0x92: {  	v0 =	vadd.f32 v6, v0;
	v1 =	vadd.f32 v7, v1  }
.Ltmp1:
0x93: {  	s1 =	sshll.u32 s25, $0x4;
	s25 =	smov.u32 s0;
	(pc) =	sbr.rel @p1 .LBB2_5-.Ltmp1, $4  }
0x94: {  	s29 =	sadd.s32 $0x10, s29;
	s1 =	sand.u32 $0x3FFFFF80, s1;
	s26 =	sshll.u32 s0, $0x9;
	v0 =	vadd.f32 v1, v0  }
0x95: {  	s1 =	sor.u32 s28, s1;
	s28 =	sand.u32 $0x70, s29;
	s26 =	sand.u32 $0x3FFFF000, s26  }
0x96: {  	s26 =	sor.u32 s28, s26;
	[tilespmem:s1+$0x12A00] =	vst v0  }
0x97: {  	s0 =	sadd.s32 $0x1, s0;
	v0 =	vld [tilespmem:s26+$0x6900]  }
0x98: {  	v1 =	vld [tilespmem:s26+$0x6800]  }
0x99: {  	v2 =	vld [tilespmem:s26+$0x6880]  }
0x9a: {  	v3 =	vld [tilespmem:s26+$0x6980]  }
0x9b: {  	v4 =	vld [tilespmem:s26+$0x6A00]  }
0x9c: {  	v5 =	vld [tilespmem:s26+$0x6A80]  }
0x9d: {  	v6 =	vld [tilespmem:s26+$0x6B00]  }
0x9e: {  	v7 =	vld [tilespmem:s26+$0x6B80]  }
0x9f: {  	v0 =	vadd.f32 v0, v1;
	v1 =	vadd.f32 v3, v2;
	v2 =	vld [tilespmem:s26+$0x6C00]  }
0xa0: {  	v3 =	vld [tilespmem:s26+$0x6C80]  }
0xa1: {  	v48 =	vld [tilespmem:s26+$0x6D00];
	v0 =	vadd.f32 v4, v0;
	v1 =	vadd.f32 v5, v1  }
0xa2: {  	v49 =	vld [tilespmem:s26+$0x6D80]  }
0xa3: {  	v50 =	vld [tilespmem:s26+$0x6E00];
	v0 =	vadd.f32 v6, v0;
	v1 =	vadd.f32 v7, v1  }
0xa4: {  	v51 =	vld [tilespmem:s26+$0x6E80]  }
0xa5: {  	v0 =	vadd.f32 v2, v0;
	v1 =	vadd.f32 v3, v1;
	v2 =	vld [tilespmem:s26+$0x6F00]  }
0xa6: {  	v3 =	vld [tilespmem:s26+$0x6F80]  }
0xa7: {  	v52 =	vld [tilespmem:s26+$0x7000];
	v0 =	vadd.f32 v48, v0;
	v1 =	vadd.f32 v49, v1  }
0xa8: {  	v53 =	vld [tilespmem:s26+$0x7080]  }
0xa9: {  	v54 =	vld [tilespmem:s26+$0x7100];
	v0 =	vadd.f32 v50, v0;
	v1 =	vadd.f32 v51, v1  }
0xaa: {  	v55 =	vld [tilespmem:s26+$0x7180]  }
0xab: {  	v0 =	vadd.f32 v2, v0;
	v1 =	vadd.f32 v3, v1;
	v2 =	vld [tilespmem:s26+$0x7200]  }
0xac: {  	v3 =	vld [tilespmem:s26+$0x7280]  }
0xad: {  	v56 =	vld [tilespmem:s26+$0x7300];
	v0 =	vadd.f32 v52, v0;
	v1 =	vadd.f32 v53, v1  }
0xae: {  	v57 =	vld [tilespmem:s26+$0x7380]  }
0xaf: {  	v58 =	vld [tilespmem:s26+$0x7400];
	v0 =	vadd.f32 v54, v0;
	v1 =	vadd.f32 v55, v1  }
0xb0: {  	v59 =	vld [tilespmem:s26+$0x7480]  }
0xb1: {  	v0 =	vadd.f32 v2, v0;
	v1 =	vadd.f32 v3, v1;
	v2 =	vld [tilespmem:s26+$0x7500]  }
0xb2: {  	v3 =	vld [tilespmem:s26+$0x7580]  }
0xb3: {  	v60 =	vld [tilespmem:s26+$0x7600];
	v0 =	vadd.f32 v56, v0;
	v1 =	vadd.f32 v57, v1  }
0xb4: {  	v61 =	vld [tilespmem:s26+$0x7680]  }
0xb5: {  	v62 =	vld [tilespmem:s26+$0x7700];
	v0 =	vadd.f32 v58, v0;
	v1 =	vadd.f32 v59, v1  }
0xb6: {  	v63 =	vld [tilespmem:s26+$0x7780]  }
0xb7: {  	v0 =	vadd.f32 v2, v0;
	v1 =	vadd.f32 v3, v1;
	_ =	sdelay $0x1  }
0xb8: {  	v0 =	vadd.f32 v60, v0;
	v1 =	vadd.f32 v61, v1;
	_ =	sdelay $0x1  }
0xb9: {  	v0 =	vadd.f32 v62, v0;
	v1 =	vadd.f32 v63, v1  }
0xba: {  	s0 =	sshll.u32 s25, $0x4  }
0xbb: {  	s1 =	sadd.s32 s5, s24;
	s0 =	sand.u32 $0x3FFFFF80, s0;
	v0 =	vadd.f32 v1, v0  }
0xbc: {  	s14 =	smin.u32 s24, $0x25;
	s1 =	sshll.u32 s1, $0x7;
	s0 =	sor.u32 s28, s0  }
0xbd: {  	s12 =	sadd.s32 s4, s1;
	[tilespmem:s0+$0x12A00] =	vst v0;
	s0 =	sshll.u32 s14, $0x8  }
0xbe: {  	[hbm4b:s12+s3] =	stream.linear.scatter [tilespmem:s17], [sflag:$0x3], $0x400, $0x38;
	[tilespmem:$0x13000] =	vst v63  }
0xbf: {  	s25 =	sadd.s32 $0x200, s0  }
0xc0: {  	[tilespmem:s10], [sflag:$0x1] =	stream.indirect.gather [hbm4b:s2+s9], $0x80, s25, s9, $0xb8;
	[tilespmem:$0x13000] =	vst v63  }
0xc1: {  	s0 =	sadd.s32 $0x280, s0  }
0xc2: {  	[tilespmem:s11], [sflag:$0x1] =	stream.indirect.gather [hbm4b:s2+s9], $0x80, s0, s9, $0xb8;
	[tilespmem:$0x13000] =	vst v63  }
0xc3: {  	_ =	swait.ge [sflag:s18], $0x4000  }
0xc4: {  	[sflag:s18] =	ssyncset.done $0x0  }
0xc5: {  	[sflag:s18] =	ssyncadd.s32 $0xFFFFC000  }
0xc6: {  	_ =	swait.ge [sflag:s18], $0x4000  }
0xc7: {  	[sflag:s18] =	ssyncset.done $0x0  }
0xc8: {  	s0 =	simm.s32 @!p0 $0x4;
	[sflag:s18] =	ssyncadd.s32 $0xFFFFC000  }
0xc9: {  	s26 =	simm.s32 $0x0;
	s25 =	simm.s32 $0x0;
	_ =	swait.ge @!p0 [sflag:s0], $0x400  }
0xca: {  	s28 =	sand.u32 $0x3FFFF000, s26;
	s29 =	sand.u32 $0x70, s25;
	[sflag:s0] =	ssyncset.done @!p0 $0x0  }
0xcb: {  	s30 =	simm.s32 $0x0;
	s31 =	sor.u32 s29, s28;
	[sflag:s0] =	ssyncadd.s32 @!p0 $0xFFFFFC00  }
0xcc: {  	s1 =	simm.s32 $0x0;
	s26 =	sor.u32 $0x1, s24;
	s0 =	simm.s32 $0x1;
	v0 =	vld [tilespmem:s31+$0xA900]  }
.LBB2_7:
0xcd: {  	p0 =	sne.s32 s0, $0x1F;
	v1 =	vld [tilespmem:s31+$0xA800]  }
0xce: {  	v2 =	vld [tilespmem:s31+$0xA880]  }
0xcf: {  	v3 =	vld [tilespmem:s31+$0xA980]  }
0xd0: {  	v4 =	vld [tilespmem:s31+$0xAA00]  }
0xd1: {  	v5 =	vld [tilespmem:s31+$0xAA80]  }
0xd2: {  	v6 =	vld [tilespmem:s31+$0xAB00]  }
0xd3: {  	v7 =	vld [tilespmem:s31+$0xAB80]  }
0xd4: {  	v0 =	vadd.f32 v0, v1;
	v1 =	vadd.f32 v3, v2;
	v2 =	vld [tilespmem:s31+$0xAC00]  }
0xd5: {  	v3 =	vld [tilespmem:s31+$0xAC80]  }
0xd6: {  	v0 =	vadd.f32 v4, v0;
	v1 =	vadd.f32 v5, v1;
	v4 =	vld [tilespmem:s31+$0xAD00]  }
0xd7: {  	v5 =	vld [tilespmem:s31+$0xAD80]  }
0xd8: {  	v0 =	vadd.f32 v6, v0;
	v1 =	vadd.f32 v7, v1;
	v6 =	vld [tilespmem:s31+$0xAE00]  }
0xd9: {  	v7 =	vld [tilespmem:s31+$0xAE80]  }
0xda: {  	v0 =	vadd.f32 v2, v0;
	v1 =	vadd.f32 v3, v1;
	v2 =	vld [tilespmem:s31+$0xAF00]  }
0xdb: {  	v3 =	vld [tilespmem:s31+$0xAF80]  }
0xdc: {  	v0 =	vadd.f32 v4, v0;
	v1 =	vadd.f32 v5, v1;
	v4 =	vld [tilespmem:s31+$0xB000]  }
0xdd: {  	v5 =	vld [tilespmem:s31+$0xB080]  }
0xde: {  	v0 =	vadd.f32 v6, v0;
	v1 =	vadd.f32 v7, v1;
	v6 =	vld [tilespmem:s31+$0xB100]  }
0xdf: {  	v7 =	vld [tilespmem:s31+$0xB180]  }
0xe0: {  	v0 =	vadd.f32 v2, v0;
	v1 =	vadd.f32 v3, v1;
	v2 =	vld [tilespmem:s31+$0xB200]  }
0xe1: {  	v3 =	vld [tilespmem:s31+$0xB280]  }
0xe2: {  	v0 =	vadd.f32 v4, v0;
	v1 =	vadd.f32 v5, v1;
	v4 =	vld [tilespmem:s31+$0xB300]  }
0xe3: {  	v5 =	vld [tilespmem:s31+$0xB380]  }
0xe4: {  	v0 =	vadd.f32 v6, v0;
	v1 =	vadd.f32 v7, v1;
	v6 =	vld [tilespmem:s31+$0xB400]  }
0xe5: {  	v7 =	vld [tilespmem:s31+$0xB480]  }
0xe6: {  	v0 =	vadd.f32 v2, v0;
	v1 =	vadd.f32 v3, v1;
	v2 =	vld [tilespmem:s31+$0xB500]  }
0xe7: {  	v3 =	vld [tilespmem:s31+$0xB580]  }
0xe8: {  	v0 =	vadd.f32 v4, v0;
	v1 =	vadd.f32 v5, v1;
	v4 =	vld [tilespmem:s31+$0xB600]  }
0xe9: {  	v5 =	vld [tilespmem:s31+$0xB680]  }
0xea: {  	v0 =	vadd.f32 v6, v0;
	v1 =	vadd.f32 v7, v1;
	v6 =	vld [tilespmem:s31+$0xB700]  }
0xeb: {  	v7 =	vld [tilespmem:s31+$0xB780]  }
0xec: {  	v0 =	vadd.f32 v2, v0;
	v1 =	vadd.f32 v3, v1;
	_ =	sdelay $0x1  }
0xed: {  	v0 =	vadd.f32 v4, v0;
	v1 =	vadd.f32 v5, v1;
	_ =	sdelay $0x1  }
0xee: {  	v0 =	vadd.f32 v6, v0;
	v1 =	vadd.f32 v7, v1  }
.Ltmp2:
0xef: {  	s31 =	sshll.u32 s30, $0x4;
	s30 =	smov.u32 s0;
	(pc) =	sbr.rel @p0 .LBB2_7-.Ltmp2, $4  }
0xf0: {  	s12 =	sshll.u32 s0, $0x9;
	s1 =	sadd.s32 $0x10, s1;
	s31 =	sand.u32 $0x3FFFFF80, s31;
	v0 =	vadd.f32 v1, v0  }
0xf1: {  	s12 =	sand.u32 $0x3FFFF000, s12;
	s14 =	sor.u32 s29, s31;
	s29 =	sand.u32 $0x70, s1  }
0xf2: {  	s31 =	sor.u32 s29, s12;
	[tilespmem:s14+$0x12C00] =	vst v0  }
0xf3: {  	s0 =	sadd.s32 $0x1, s0;
	v0 =	vld [tilespmem:s31+$0xA900]  }
0xf4: {  	v1 =	vld [tilespmem:s31+$0xA800]  }
0xf5: {  	v2 =	vld [tilespmem:s31+$0xA880]  }
0xf6: {  	v3 =	vld [tilespmem:s31+$0xA980]  }
0xf7: {  	v4 =	vld [tilespmem:s31+$0xAA00]  }
0xf8: {  	v5 =	vld [tilespmem:s31+$0xAA80]  }
0xf9: {  	v6 =	vld [tilespmem:s31+$0xAB00]  }
0xfa: {  	v7 =	vld [tilespmem:s31+$0xAB80]  }
0xfb: {  	v0 =	vadd.f32 v0, v1;
	v1 =	vadd.f32 v3, v2;
	v2 =	vld [tilespmem:s31+$0xAC00]  }
0xfc: {  	v3 =	vld [tilespmem:s31+$0xAC80]  }
0xfd: {  	v48 =	vld [tilespmem:s31+$0xAD00];
	v0 =	vadd.f32 v4, v0;
	v1 =	vadd.f32 v5, v1  }
0xfe: {  	v49 =	vld [tilespmem:s31+$0xAD80]  }
0xff: {  	v50 =	vld [tilespmem:s31+$0xAE00];
	v0 =	vadd.f32 v6, v0;
	v1 =	vadd.f32 v7, v1  }
0x100: {  	v51 =	vld [tilespmem:s31+$0xAE80]  }
0x101: {  	v0 =	vadd.f32 v2, v0;
	v1 =	vadd.f32 v3, v1;
	v2 =	vld [tilespmem:s31+$0xAF00]  }
0x102: {  	v3 =	vld [tilespmem:s31+$0xAF80]  }
0x103: {  	v52 =	vld [tilespmem:s31+$0xB000];
	v0 =	vadd.f32 v48, v0;
	v1 =	vadd.f32 v49, v1  }
0x104: {  	v53 =	vld [tilespmem:s31+$0xB080]  }
0x105: {  	v54 =	vld [tilespmem:s31+$0xB100];
	v0 =	vadd.f32 v50, v0;
	v1 =	vadd.f32 v51, v1  }
0x106: {  	v55 =	vld [tilespmem:s31+$0xB180]  }
0x107: {  	v0 =	vadd.f32 v2, v0;
	v1 =	vadd.f32 v3, v1;
	v2 =	vld [tilespmem:s31+$0xB200]  }
0x108: {  	v3 =	vld [tilespmem:s31+$0xB280]  }
0x109: {  	v56 =	vld [tilespmem:s31+$0xB300];
	v0 =	vadd.f32 v52, v0;
	v1 =	vadd.f32 v53, v1  }
0x10a: {  	v57 =	vld [tilespmem:s31+$0xB380]  }
0x10b: {  	v58 =	vld [tilespmem:s31+$0xB400];
	v0 =	vadd.f32 v54, v0;
	v1 =	vadd.f32 v55, v1  }
0x10c: {  	v59 =	vld [tilespmem:s31+$0xB480]  }
0x10d: {  	v0 =	vadd.f32 v2, v0;
	v1 =	vadd.f32 v3, v1;
	v2 =	vld [tilespmem:s31+$0xB500]  }
0x10e: {  	v3 =	vld [tilespmem:s31+$0xB580]  }
0x10f: {  	v60 =	vld [tilespmem:s31+$0xB600];
	v0 =	vadd.f32 v56, v0;
	v1 =	vadd.f32 v57, v1  }
0x110: {  	v61 =	vld [tilespmem:s31+$0xB680]  }
0x111: {  	v62 =	vld [tilespmem:s31+$0xB700];
	v0 =	vadd.f32 v58, v0;
	v1 =	vadd.f32 v59, v1  }
0x112: {  	v63 =	vld [tilespmem:s31+$0xB780]  }
0x113: {  	v0 =	vadd.f32 v2, v0;
	v1 =	vadd.f32 v3, v1;
	_ =	sdelay $0x1  }
0x114: {  	v0 =	vadd.f32 v60, v0;
	v1 =	vadd.f32 v61, v1;
	_ =	sdelay $0x1  }
0x115: {  	v0 =	vadd.f32 v62, v0;
	v1 =	vadd.f32 v63, v1  }
0x116: {  	s0 =	sshll.u32 s30, $0x4  }
0x117: {  	s0 =	sand.u32 $0x3FFFFF80, s0;
	v0 =	vadd.f32 v1, v0  }
0x118: {  	s0 =	sor.u32 s29, s0;
	s29 =	sand.u32 $0x70, s25  }
0x119: {  	s28 =	sor.u32 s29, s28;
	[tilespmem:s0+$0x12C00] =	vst v0  }
0x11a: {  	s1 =	simm.s32 $0x0;
	s0 =	simm.s32 $0x1;
	v0 =	vld [tilespmem:s28+$0xE900]  }
.LBB2_9:
0x11b: {  	p0 =	sne.s32 s0, $0x1F;
	v1 =	vld [tilespmem:s28+$0xE800]  }
0x11c: {  	v2 =	vld [tilespmem:s28+$0xE880]  }
0x11d: {  	v3 =	vld [tilespmem:s28+$0xE980]  }
0x11e: {  	v4 =	vld [tilespmem:s28+$0xEA00]  }
0x11f: {  	v5 =	vld [tilespmem:s28+$0xEA80]  }
0x120: {  	v6 =	vld [tilespmem:s28+$0xEB00]  }
0x121: {  	v7 =	vld [tilespmem:s28+$0xEB80]  }
0x122: {  	v0 =	vadd.f32 v0, v1;
	v1 =	vadd.f32 v3, v2;
	v2 =	vld [tilespmem:s28+$0xEC00]  }
0x123: {  	v3 =	vld [tilespmem:s28+$0xEC80]  }
0x124: {  	v0 =	vadd.f32 v4, v0;
	v1 =	vadd.f32 v5, v1;
	v4 =	vld [tilespmem:s28+$0xED00]  }
0x125: {  	v5 =	vld [tilespmem:s28+$0xED80]  }
0x126: {  	v0 =	vadd.f32 v6, v0;
	v1 =	vadd.f32 v7, v1;
	v6 =	vld [tilespmem:s28+$0xEE00]  }
0x127: {  	v7 =	vld [tilespmem:s28+$0xEE80]  }
0x128: {  	v0 =	vadd.f32 v2, v0;
	v1 =	vadd.f32 v3, v1;
	v2 =	vld [tilespmem:s28+$0xEF00]  }
0x129: {  	v3 =	vld [tilespmem:s28+$0xEF80]  }
0x12a: {  	v0 =	vadd.f32 v4, v0;
	v1 =	vadd.f32 v5, v1;
	v4 =	vld [tilespmem:s28+$0xF000]  }
0x12b: {  	v5 =	vld [tilespmem:s28+$0xF080]  }
0x12c: {  	v0 =	vadd.f32 v6, v0;
	v1 =	vadd.f32 v7, v1;
	v6 =	vld [tilespmem:s28+$0xF100]  }
0x12d: {  	v7 =	vld [tilespmem:s28+$0xF180]  }
0x12e: {  	v0 =	vadd.f32 v2, v0;
	v1 =	vadd.f32 v3, v1;
	v2 =	vld [tilespmem:s28+$0xF200]  }
0x12f: {  	v3 =	vld [tilespmem:s28+$0xF280]  }
0x130: {  	v0 =	vadd.f32 v4, v0;
	v1 =	vadd.f32 v5, v1;
	v4 =	vld [tilespmem:s28+$0xF300]  }
0x131: {  	v5 =	vld [tilespmem:s28+$0xF380]  }
0x132: {  	v0 =	vadd.f32 v6, v0;
	v1 =	vadd.f32 v7, v1;
	v6 =	vld [tilespmem:s28+$0xF400]  }
0x133: {  	v7 =	vld [tilespmem:s28+$0xF480]  }
0x134: {  	v0 =	vadd.f32 v2, v0;
	v1 =	vadd.f32 v3, v1;
	v2 =	vld [tilespmem:s28+$0xF500]  }
0x135: {  	v3 =	vld [tilespmem:s28+$0xF580]  }
0x136: {  	v0 =	vadd.f32 v4, v0;
	v1 =	vadd.f32 v5, v1;
	v4 =	vld [tilespmem:s28+$0xF600]  }
0x137: {  	v5 =	vld [tilespmem:s28+$0xF680]  }
0x138: {  	v0 =	vadd.f32 v6, v0;
	v1 =	vadd.f32 v7, v1;
	v6 =	vld [tilespmem:s28+$0xF700]  }
0x139: {  	v7 =	vld [tilespmem:s28+$0xF780]  }
0x13a: {  	v0 =	vadd.f32 v2, v0;
	v1 =	vadd.f32 v3, v1;
	_ =	sdelay $0x1  }
0x13b: {  	v0 =	vadd.f32 v4, v0;
	v1 =	vadd.f32 v5, v1;
	_ =	sdelay $0x1  }
0x13c: {  	v0 =	vadd.f32 v6, v0;
	v1 =	vadd.f32 v7, v1  }
.Ltmp3:
0x13d: {  	s12 =	sshll.u32 s25, $0x4;
	s25 =	smov.u32 s0;
	(pc) =	sbr.rel @p0 .LBB2_9-.Ltmp3, $4  }
0x13e: {  	s14 =	sshll.u32 s0, $0x9;
	s1 =	sadd.s32 $0x10, s1;
	s12 =	sand.u32 $0x3FFFFF80, s12;
	v0 =	vadd.f32 v1, v0  }
0x13f: {  	s14 =	sand.u32 $0x3FFFF000, s14;
	s12 =	sor.u32 s29, s12;
	s29 =	sand.u32 $0x70, s1  }
0x140: {  	s28 =	sor.u32 s29, s14;
	[tilespmem:s12+$0x12E00] =	vst v0  }
0x141: {  	s0 =	sadd.s32 $0x1, s0;
	v0 =	vld [tilespmem:s28+$0xE900]  }
0x142: {  	v1 =	vld [tilespmem:s28+$0xE800]  }
0x143: {  	v2 =	vld [tilespmem:s28+$0xE880]  }
0x144: {  	v3 =	vld [tilespmem:s28+$0xE980]  }
0x145: {  	v4 =	vld [tilespmem:s28+$0xEA00]  }
0x146: {  	v5 =	vld [tilespmem:s28+$0xEA80]  }
0x147: {  	v6 =	vld [tilespmem:s28+$0xEB00]  }
0x148: {  	v7 =	vld [tilespmem:s28+$0xEB80]  }
0x149: {  	v40 =	vld [tilespmem:s28+$0xEC00];
	v0 =	vadd.f32 v0, v1;
	v39 =	vadd.f32 v3, v2  }
0x14a: {  	v41 =	vld [tilespmem:s28+$0xEC80]  }
0x14b: {  	v42 =	vld [tilespmem:s28+$0xED00];
	v0 =	vadd.f32 v4, v0;
	v1 =	vadd.f32 v5, v39  }
0x14c: {  	v43 =	vld [tilespmem:s28+$0xED80]  }
0x14d: {  	v44 =	vld [tilespmem:s28+$0xEE00];
	v0 =	vadd.f32 v6, v0;
	v1 =	vadd.f32 v7, v1  }
0x14e: {  	v45 =	vld [tilespmem:s28+$0xEE80]  }
0x14f: {  	v46 =	vld [tilespmem:s28+$0xEF00];
	v0 =	vadd.f32 v40, v0;
	v1 =	vadd.f32 v41, v1  }
0x150: {  	v47 =	vld [tilespmem:s28+$0xEF80]  }
0x151: {  	v48 =	vld [tilespmem:s28+$0xF000];
	v0 =	vadd.f32 v42, v0;
	v1 =	vadd.f32 v43, v1  }
0x152: {  	v49 =	vld [tilespmem:s28+$0xF080]  }
0x153: {  	v50 =	vld [tilespmem:s28+$0xF100];
	v0 =	vadd.f32 v44, v0;
	v1 =	vadd.f32 v45, v1  }
0x154: {  	v51 =	vld [tilespmem:s28+$0xF180]  }
0x155: {  	v52 =	vld [tilespmem:s28+$0xF200];
	v0 =	vadd.f32 v46, v0;
	v1 =	vadd.f32 v47, v1  }
0x156: {  	v53 =	vld [tilespmem:s28+$0xF280]  }
0x157: {  	v54 =	vld [tilespmem:s28+$0xF300];
	v0 =	vadd.f32 v48, v0;
	v1 =	vadd.f32 v49, v1  }
0x158: {  	v55 =	vld [tilespmem:s28+$0xF380]  }
0x159: {  	v56 =	vld [tilespmem:s28+$0xF400];
	v0 =	vadd.f32 v50, v0;
	v1 =	vadd.f32 v51, v1  }
0x15a: {  	v57 =	vld [tilespmem:s28+$0xF480]  }
0x15b: {  	v58 =	vld [tilespmem:s28+$0xF500];
	v0 =	vadd.f32 v52, v0;
	v1 =	vadd.f32 v53, v1  }
0x15c: {  	v59 =	vld [tilespmem:s28+$0xF580]  }
0x15d: {  	v60 =	vld [tilespmem:s28+$0xF600];
	v0 =	vadd.f32 v54, v0;
	v1 =	vadd.f32 v55, v1  }
0x15e: {  	v61 =	vld [tilespmem:s28+$0xF680]  }
0x15f: {  	v62 =	vld [tilespmem:s28+$0xF700];
	v0 =	vadd.f32 v56, v0;
	v1 =	vadd.f32 v57, v1  }
0x160: {  	v63 =	vld [tilespmem:s28+$0xF780]  }
0x161: {  	v0 =	vadd.f32 v58, v0;
	v1 =	vadd.f32 v59, v1;
	_ =	sdelay $0x1  }
0x162: {  	v0 =	vadd.f32 v60, v0;
	v1 =	vadd.f32 v61, v1;
	_ =	sdelay $0x1  }
0x163: {  	v0 =	vadd.f32 v62, v0;
	v1 =	vadd.f32 v63, v1  }
0x164: {  	s0 =	sshll.u32 s25, $0x4;
	s1 =	sadd.s32 s5, s26  }
0x165: {  	s0 =	sand.u32 $0x3FFFFF80, s0;
	s1 =	sshll.u32 s1, $0x7;
	v0 =	vadd.f32 v1, v0  }
0x166: {  	s23 =	sadd.s32 $0x1, s23;
	s0 =	sor.u32 s29, s0;
	s1 =	sand.u32 $0x1FFFFF80, s1  }
0x167: {  	s30 =	smin.u32 s24, $0x24;
	p0 =	sne.s32 s23, $0x14;
	s29 =	sadd.s32 s4, s1;
	[tilespmem:s0+$0x12E00] =	vst v0  }
0x168: {  	[hbm4b:s29+s3] =	stream.linear.scatter [tilespmem:s19], [sflag:$0x4], $0x400, $0x38;
	[tilespmem:$0x13000] =	vst v63  }
.Ltmp4:
0x169: {  	s0 =	sshll.u32 s30, $0x8;
	(pc) =	sbr.rel @p0 .LBB2_2-.Ltmp4, $4  }
0x16a: {  	s31 =	sadd.s32 $0x300, s0  }
0x16b: {  	[tilespmem:s13], [sflag:$0x2] =	stream.indirect.gather [hbm4b:s2+s9], $0x80, s31, s9, $0xb8;
	[tilespmem:$0x13000] =	vst v63  }
0x16c: {  	s0 =	sadd.s32 $0x380, s0  }
0x16d: {  	[tilespmem:s15], [sflag:$0x2] =	stream.indirect.gather [hbm4b:s2+s9], $0x80, s0, s9, $0xb8;
	[tilespmem:$0x13000] =	vst v63  }
0x16e: {  	_ =	swait.ge [sflag:s16], $0x4000  }
0x16f: {  	[sflag:s16] =	ssyncset.done $0x0  }
0x170: {  	[sflag:s16] =	ssyncadd.s32 $0xFFFFC000  }
0x171: {  	_ =	swait.ge [sflag:s16], $0x4000  }
0x172: {  	[sflag:s16] =	ssyncset.done $0x0  }
0x173: {  	[sflag:s16] =	ssyncadd.s32 $0xFFFFC000  }
0x174: {  	_ =	swait.ge [sflag:s20], $0x400  }
0x175: {  	[sflag:s20] =	ssyncset.done $0x0  }
0x176: {  	[sflag:s20] =	ssyncadd.s32 $0xFFFFFC00  }
0x177: {  	_ =	swait.ge [sflag:s18], $0x4000  }
0x178: {  	[sflag:s18] =	ssyncset.done $0x0  }
0x179: {  	s22 =	sadd.s32 $0x1, s22;
	[sflag:s18] =	ssyncadd.s32 $0xFFFFC000  }
0x17a: {  	p0 =	sne.s32 s22, s7;
	_ =	swait.ge [sflag:s18], $0x4000  }
.Ltmp5:
0x17b: {  	[sflag:s18] =	ssyncset.done $0x0;
	(pc) =	sbr.rel @p0 .LBB2_1-.Ltmp5, $4  }
0x17c: {  	[sflag:s18] =	ssyncadd.s32 $0xFFFFC000  }
0x17d: {  	_ =	swait.ge [sflag:s21], $0x400  }
0x17e: {  	[sflag:s21] =	ssyncset.done $0x0  }
0x17f: {  	[sflag:s21] =	ssyncadd.s32 $0xFFFFFC00  }
0x180: {  	_ =	sfence.sel $0x180000  }
0x181: {  	[bflag:$0x0] =	sbarrier.arrive $0xFFFF  }
0x182: {  	_ =	strace $0x90000047  }
0x183: {  	s0 =	stileid.u32;
	[bflag:$0x2] =	sbarrier.arrive $0xFFFF  }
0x184: {  	p0 =	sne.s32 s0, $0x0;
	s0 =	rddreg [dreg:$0x3]  }
0x185: {  	s0 =	sadd.s32 @!p0 $0x100000, s0  }
0x186: {  	[sflag:s0] =	ssyncadd.tile.s32 @!p0 $0x1;
	_ =	shalt  }
.Lfunc_end2:
_tile_overlayer_lowered:
.L_overlay_start_2:
0x187: {  	(tag) =	ssettag $0x2  }
0x188: {  	s0 =	rddreg [dreg:$0x0];
	s2 =	stileid.u32  }
0x189: {  	s1 =	rddreg [dreg:$0x1];
	p0 =	sne.s32 s2, $0x0  }
0x18a: {  	s3 =	rddreg [dreg:$0x2];
	[bflag:$0x3] =	sbarrier.arrive $0xFFFF;
	s2 =	simm.s32 @!p0 $0x1C05  }
0x18b: {  	[timem:s3], [sflag:s2] =	dma.local @!p0 [hbm:s0], s1  }
0x18c: {  	s0 =	simm.s32 @!p0 $0x5  }
0x18d: {  	_ =	swait.ge @!p0 [sflag:s0], s1  }
0x18e: {  	s1 =	ssub.s32 @!p0 $0x0, s1;
	[sflag:s0] =	ssyncset.done @!p0 $0x0  }
0x18f: {  	[sflag:s0] =	ssyncadd.s32 @!p0 s1  }
0x190: {  	[bflag:$0x3] =	sbarrier.arrive $0xFFFF  }
0x191: {  	_ =	shalt  }

</sc_bundles>
